<compile_context>
chip_gen: v7x
topology: tpu7x:2x2x1
jax: 0.10.2.dev20260603
libtpu: 0.0.44.dev20260713+nightly
codegen_flags: <defaults>
</compile_context>

<pallas_src>
import functools

import jax
import jax.numpy as jnp
from jax import lax
from jax.experimental import pallas as pl
from jax.experimental.pallas import tpu as pltpu
from jax.experimental.pallas import tpu_sc as plsc

B = 16
MAX_LEN = 2048
TOTAL = 16384
D = 512

TILE = 2048
N_TILES = TOTAL // TILE
PAD_ROWS = 10
P_PAD = PAD_ROWS * TILE

OUT_ELEMS = B * MAX_LEN
CHUNK = MAX_LEN
WIN = CHUNK + 16


def _tc_body(cu_ref, x_ref, w1_ref, b1_ref, w2t_ref, b2_ref, out_ref, s_scr):
    i = pl.program_id(0)

    @pl.when(i < N_TILES)
    def _matmul():
        x_bf = x_ref[...].astype(jnp.bfloat16)
        w1_bf = w1_ref[...].astype(jnp.bfloat16)
        h = jnp.dot(x_bf, w1_bf, preferred_element_type=jnp.float32)
        h = jnp.maximum(h + b1_ref[...], 0.0)
        s = lax.dot_general(w2t_ref[...], h, (((1,), (1,)), ((), ())),
                            preferred_element_type=jnp.float32)
        s_scr[pl.ds(i, 1), :] = s + b2_ref[0, 0]

    @pl.when(i == N_TILES)
    def _softmax():
        s = s_scr[...]
        row = lax.broadcasted_iota(jnp.int32, (N_TILES, TILE), 0)
        col = lax.broadcasted_iota(jnp.int32, (N_TILES, TILE), 1)
        t = row * TILE + col
        neg_inf = jnp.float32(-jnp.inf)

        masks = []
        m_tok = jnp.zeros((N_TILES, TILE), jnp.float32)
        for b in range(B):
            mask = (t >= cu_ref[b]) & (t < cu_ref[b + 1])
            masks.append(mask)
            m_b = jnp.max(jnp.where(mask, s, neg_inf))
            m_tok = m_tok + jnp.where(mask, m_b, 0.0)

        e = jnp.exp(s - m_tok)
        d_tok = jnp.ones((N_TILES, TILE), jnp.float32)
        for b in range(B):
            sum_b = jnp.sum(jnp.where(masks[b], e, 0.0))
            d_tok = d_tok + jnp.where(masks[b], sum_b - 1.0, 0.0)

        out_ref[0:N_TILES, :] = e / d_tok
        out_ref[N_TILES:PAD_ROWS, :] = jnp.zeros(
            (PAD_ROWS - N_TILES, TILE), jnp.float32)


def _sc_gather_body(p_hbm, cu_hbm, out_hbm, cu_v, win_v, out_v):
    b = lax.axis_index("s")
    pltpu.sync_copy(cu_hbm, cu_v)
    cu_vec = cu_v[pl.ds(b, 16)]
    start = cu_vec[0]
    ln = cu_vec[1] - start
    start8 = (start >> 3) << 3
    r = start - start8
    pltpu.sync_copy(p_hbm.at[pl.ds(pl.multiple_of(start8, 8), WIN)], win_v)

    def body(j, carry):
        col = j * 16 + lax.broadcasted_iota(jnp.int32, (16,), 0)
        v = win_v[pl.ds(r + j * 16, 16)]
        out_v[pl.ds(j * 16, 16)] = jnp.where(col < ln, v, 0.0)
        return carry

    lax.fori_loop(0, CHUNK // 16, body, 0)
    pltpu.sync_copy(out_v, out_hbm.at[pl.ds(b * CHUNK, CHUNK)])


def kernel(flat, cu_seqlens, W1, b1, W2, b2):
    cu = cu_seqlens.astype(jnp.int32)
    b1r = b1.reshape(1, D)
    w2t = W2.reshape(1, D)
    b2r = b2.reshape(1, 1)

    probs = pl.pallas_call(
        _tc_body,
        grid_spec=pltpu.PrefetchScalarGridSpec(
            num_scalar_prefetch=1,
            grid=(N_TILES + 1,),
            in_specs=[
                pl.BlockSpec((TILE, D),
                             lambda i, c: (jnp.minimum(i, N_TILES - 1), 0)),
                pl.BlockSpec((D, D), lambda i, c: (0, 0)),
                pl.BlockSpec((1, D), lambda i, c: (0, 0)),
                pl.BlockSpec((1, D), lambda i, c: (0, 0)),
                pl.BlockSpec((1, 1), lambda i, c: (0, 0)),
            ],
            out_specs=pl.BlockSpec((PAD_ROWS, TILE), lambda i, c: (0, 0)),
            scratch_shapes=[pltpu.VMEM((N_TILES, TILE), jnp.float32)],
        ),
        out_shape=jax.ShapeDtypeStruct((PAD_ROWS, TILE), jnp.float32),
    )(cu, flat, W1, b1r, w2t, b2r)

    cu_pad = jnp.pad(cu, (0, 32 - (B + 1)))

    sc_gather = functools.partial(
        pl.kernel,
        mesh=plsc.VectorSubcoreMesh(core_axis_name="c", subcore_axis_name="s", num_cores=1),
        out_type=jax.ShapeDtypeStruct((OUT_ELEMS,), jnp.float32),
        scratch_types=[
            pltpu.VMEM((32,), jnp.int32),
            pltpu.VMEM((WIN,), jnp.float32),
            pltpu.VMEM((CHUNK,), jnp.float32),
        ],
        compiler_params=pltpu.CompilerParams(needs_layout_passes=False),
    )(_sc_gather_body)

    dense = sc_gather(probs.reshape(P_PAD), cu_pad)
    return dense.reshape(B, MAX_LEN)

# --- scband reference (transcript-rebuilt; emitter-appended) ---
"""Pipeline reference for scband-custom-actor-55052890800737 (READ-ONLY COPY).

The authoritative reference and input builder live on the scoring server;
editing this copy changes nothing except your own understanding.
"""

import jax, jax.numpy as jnp
import numpy as np

B = 16
MAX_LEN = 2048
TOTAL = 16384
D = 512

def setup_inputs(seed: int = 0) -> dict:
    key = jax.random.key(seed)
    k1, k2, k3 = jax.random.split(key, 3)
    flat = jax.random.normal(k1, (TOTAL, D), dtype=jnp.float32)
    # Build valid cu_seqlens: B segments, each length in (0, MAX_LEN], summing to TOTAL
    rng = np.random.default_rng(0)
    lens = rng.integers(600, 1400, size=B)
    diff = TOTAL - int(lens.sum())
    lens = lens + diff // B
    rem = diff % B
    lens[:rem] += 1
    cu = np.zeros(B + 1, dtype=np.int32)
    cu[1:] = np.cumsum(lens)
    cu_seqlens = jnp.asarray(cu, dtype=jnp.int32)
    # Learned parameters: preprocess_net hidden layer + replacement `last` head (out_channels=1)
    W1 = jax.random.normal(k2, (D, D), dtype=jnp.float32) * (1.0 / np.sqrt(D))
    b1 = jnp.zeros((D,), dtype=jnp.float32)
    W2 = jax.random.normal(k3, (D, 1), dtype=jnp.float32) * (1.0 / np.sqrt(D))
    b2 = jnp.zeros((1,), dtype=jnp.float32)
    return {"flat": flat, "cu_seqlens": cu_seqlens, "W1": W1, "b1": b1, "W2": W2, "b2": b2}

def reference(flat, cu_seqlens, W1, b1, W2, b2):
    # Per-doc score from the (frozen GNN abstracted as MLP over node features) + new last head
    h = jax.nn.relu(flat @ W1 + b1)
    out = (h @ W2 + b2).squeeze(-1)  # [TOTAL] -- same as out.squeeze() in torch
    # Ragged per-segment softmax padded with -inf up to num_docs_max (MAX_LEN)
    tok = jnp.arange(flat.shape[0])
    seg = jnp.searchsorted(cu_seqlens, tok, side='right') - 1  # batch id per doc
    pos = tok - cu_seqlens[seg]  # position within its segment
    dense = jnp.full((B, MAX_LEN), -jnp.inf, dtype=out.dtype)
    dense = dense.at[seg, pos].set(out)  # scatter-overwrite into padded [B, MAX_LEN]
    logits = jax.nn.softmax(dense, axis=1)  # padded slots -> exactly 0 probability
    return logits

if __name__ == "__main__":
    import jax
    _d = setup_inputs()
    print(jax.jit(kernel)(*tuple(_d.values())))

</pallas_src>

<mosaic_0001>
#map = affine_map<(d0, d1) -> (0)>
module attributes {stable_mosaic.version = 14 : i64} {
  func.func @_sc_gather_body(%arg0: i32, %arg1: i32, %arg2: memref<20480xf32, #tpu.memory_space<hbm>>, %arg3: memref<32xi32, #tpu.memory_space<hbm>>, %arg4: memref<32768xf32, #tpu.memory_space<hbm>>, %arg5: memref<32xi32, #tpu.memory_space<vmem>>, %arg6: memref<2064xf32, #tpu.memory_space<vmem>>, %arg7: memref<2048xf32, #tpu.memory_space<vmem>>) attributes {dimension_semantics = [#tpu.dimension_semantics<core_parallel>, #tpu.dimension_semantics<subcore_parallel>], iteration_bounds = array<i64: 1, 16>, scalar_prefetch = 0 : i64, scratch_operands = 3 : i64, tpu.core_type = #tpu.core_type<sc_vector_subcore>, window_params = [{transform_indices = #map}, {transform_indices = #map}, {transform_indices = #map}]} {
    "tpu.region"() ({
      %run_scoped3A = tpu.sem_alloc : memref<!tpu.dma_semaphore, #tpu.memory_space<semaphore_mem>>
      tpu.enqueue_dma source(%arg3 : memref<32xi32, #tpu.memory_space<hbm>>) target(%arg5 : memref<32xi32, #tpu.memory_space<vmem>>) target_semaphore(%run_scoped3A : memref<!tpu.dma_semaphore, #tpu.memory_space<semaphore_mem>>)
      tpu.wait_dma2 semaphore(%run_scoped3A : memref<!tpu.dma_semaphore, #tpu.memory_space<semaphore_mem>>) src(%arg3 : memref<32xi32, #tpu.memory_space<hbm>>) dst(%arg5 : memref<32xi32, #tpu.memory_space<vmem>>)
      tpu.yield
    }) : () -> ()
    %get3A = arith.index_cast %arg1 : i32 to index
    %get3A_0 = tpu.vector_load %arg5[%get3A] {strides = array<i32>} : memref<32xi32, #tpu.memory_space<vmem>>, vector<16xi32>,
    %slice3A = vector.extract_strided_slice %get3A_0 {offsets = [0], sizes = [1], strides = [1]} : vector<16xi32> to vector<1xi32>
    %squeeze3A = vector.extract %slice3A[0] : i32 from vector<1xi32>
    %slice3A_1 = vector.extract_strided_slice %get3A_0 {offsets = [1], sizes = [1], strides = [1]} : vector<16xi32> to vector<1xi32>
    %squeeze3A_2 = vector.extract %slice3A_1[0] : i32 from vector<1xi32>
    %sub3A = arith.subi %squeeze3A_2, %squeeze3A : i32
    %shift_right_arithmetic3A = arith.constant 3 : i32
    %shift_right_arithmetic3A_3 = arith.shrsi %squeeze3A, %shift_right_arithmetic3A : i32
    %shift_left3A = arith.constant 3 : i32
    %shift_left3A_4 = arith.shli %shift_right_arithmetic3A_3, %shift_left3A : i32
    %sub3A_5 = arith.subi %squeeze3A, %shift_left3A_4 : i32
    %multiple_of3A = tpu.assume_multiple %shift_left3A_4, 8 : i32
    "tpu.region"() ({
      %run_scoped3A = tpu.sem_alloc : memref<!tpu.dma_semaphore, #tpu.memory_space<semaphore_mem>>
      %dma_start3A = tpu.memref_slice %arg2[%multiple_of3A] : memref<20480xf32, #tpu.memory_space<hbm>> -> memref<2064xf32, #tpu.memory_space<hbm>>
      %dma_start3A_12 = tpu.memref_slice %arg2[%multiple_of3A] : memref<20480xf32, #tpu.memory_space<hbm>> -> memref<2064xf32, #tpu.memory_space<hbm>>
      tpu.enqueue_dma source(%dma_start3A_12 : memref<2064xf32, #tpu.memory_space<hbm>>) target(%arg6 : memref<2064xf32, #tpu.memory_space<vmem>>) target_semaphore(%run_scoped3A : memref<!tpu.dma_semaphore, #tpu.memory_space<semaphore_mem>>)
      %dma_wait3A = tpu.memref_slice %arg2[%multiple_of3A] : memref<20480xf32, #tpu.memory_space<hbm>> -> memref<2064xf32, #tpu.memory_space<hbm>>
      %dma_wait3A_13 = tpu.memref_slice %arg2[%multiple_of3A] : memref<20480xf32, #tpu.memory_space<hbm>> -> memref<2064xf32, #tpu.memory_space<hbm>>
      tpu.wait_dma2 semaphore(%run_scoped3A : memref<!tpu.dma_semaphore, #tpu.memory_space<semaphore_mem>>) src(%dma_wait3A_13 : memref<2064xf32, #tpu.memory_space<hbm>>) dst(%arg6 : memref<2064xf32, #tpu.memory_space<vmem>>)
      tpu.yield
    }) : () -> ()
    %scan3A = arith.constant 0 : i32
    %scan3A_6 = arith.constant 0 : i32
    %scan3A_7 = arith.constant 128 : i32
    %scan3A_8 = arith.addi %scan3A_6, %scan3A_7 : i32
    %scan3A_9 = arith.constant 1 : i32
    scf.for %scan3A_12 = %scan3A_6 to %scan3A_8 step %scan3A_9  : i32 {
      %mul3A_13 = arith.constant 16 : i32
      %mul3A_14 = arith.muli %scan3A_12, %mul3A_13 : i32
      %iota3A = tpu.iota {dimensions = array<i32: 0>} : vector<16xi32>
      %add3A = vector.broadcast %mul3A_14 : i32 to vector<16xi32>
      %add3A_15 = arith.addi %add3A, %iota3A : vector<16xi32>
      %mul3A_16 = arith.constant 16 : i32
      %mul3A_17 = arith.muli %scan3A_12, %mul3A_16 : i32
      %add3A_18 = arith.addi %sub3A_5, %mul3A_17 : i32
      %get3A_19 = arith.index_cast %add3A_18 : i32 to index
      %get3A_20 = tpu.vector_load %arg6[%get3A_19] {strides = array<i32>} : memref<2064xf32, #tpu.memory_space<vmem>>, vector<16xf32>,
      %lt3A = vector.broadcast %sub3A : i32 to vector<16xi32>
      %lt3A_21 = arith.cmpi slt, %add3A_15, %lt3A : vector<16xi32>
      %jit3A = arith.constant 0.000000e+00 : f32
      %broadcast_in_dim3A = vector.broadcast %jit3A : f32 to vector<16xf32>
      %select_n3A = arith.select %lt3A_21, %get3A_20, %broadcast_in_dim3A : vector<16xi1>, vector<16xf32>
      %mul3A_22 = arith.constant 16 : i32
      %mul3A_23 = arith.muli %scan3A_12, %mul3A_22 : i32
      %swap3A = arith.index_cast %mul3A_23 : i32 to index
      %swap3A_24 = tpu.vector_load %arg7[%swap3A] {strides = array<i32>} : memref<2048xf32, #tpu.memory_space<vmem>>, vector<16xf32>,
      tpu.vector_store %arg7[%swap3A], %select_n3A {strides = array<i32>} : memref<2048xf32, #tpu.memory_space<vmem>>, vector<16xf32>,
    }
    %scan3A_10 = arith.constant 128 : i32
    %mul3A = arith.constant 2048 : i32
    %mul3A_11 = arith.muli %arg1, %mul3A : i32
    "tpu.region"() ({
      %run_scoped3A = tpu.sem_alloc : memref<!tpu.dma_semaphore, #tpu.memory_space<semaphore_mem>>
      %dma_start3A = tpu.memref_slice %arg4[%mul3A_11] : memref<32768xf32, #tpu.memory_space<hbm>> -> memref<2048xf32, #tpu.memory_space<hbm>>
      %dma_start3A_12 = tpu.memref_slice %arg4[%mul3A_11] : memref<32768xf32, #tpu.memory_space<hbm>> -> memref<2048xf32, #tpu.memory_space<hbm>>
      tpu.enqueue_dma source(%arg7 : memref<2048xf32, #tpu.memory_space<vmem>>) target(%dma_start3A_12 : memref<2048xf32, #tpu.memory_space<hbm>>) target_semaphore(%run_scoped3A : memref<!tpu.dma_semaphore, #tpu.memory_space<semaphore_mem>>)
      %dma_wait3A = tpu.memref_slice %arg4[%mul3A_11] : memref<32768xf32, #tpu.memory_space<hbm>> -> memref<2048xf32, #tpu.memory_space<hbm>>
      %dma_wait3A_13 = tpu.memref_slice %arg4[%mul3A_11] : memref<32768xf32, #tpu.memory_space<hbm>> -> memref<2048xf32, #tpu.memory_space<hbm>>
      tpu.wait_dma2 semaphore(%run_scoped3A : memref<!tpu.dma_semaphore, #tpu.memory_space<semaphore_mem>>) src(%arg7 : memref<2048xf32, #tpu.memory_space<vmem>>) dst(%dma_wait3A_13 : memref<2048xf32, #tpu.memory_space<hbm>>)
      tpu.yield
    }) : () -> ()
    return
  }
}

module attributes {stable_mosaic.version = 14 : i64} {
  func.func @_tc_body(%arg0: i32, %arg1: memref<17xi32, #tpu.memory_space<smem>>, %arg2: memref<2048x512xf32, #tpu.memory_space<vmem>>, %arg3: memref<512x512xf32, #tpu.memory_space<vmem>>, %arg4: memref<1x512xf32, #tpu.memory_space<vmem>>, %arg5: memref<1x512xf32, #tpu.memory_space<vmem>>, %arg6: memref<1x1xf32, #tpu.memory_space<vmem>>, %arg7: memref<10x2048xf32, #tpu.memory_space<vmem>>, %arg8: memref<8x2048xf32, #tpu.memory_space<vmem>>) attributes {dimension_semantics = [#tpu.dimension_semantics<arbitrary>], iteration_bounds = array<i64: 9>, scalar_prefetch = 1 : i64, scratch_operands = 1 : i64, tpu.core_type = #tpu.core_type<tc>, window_params = [{transform_indices = @transform_0, window_bounds = array<i64: 2048, 512>}, {pipeline_mode = #tpu.pipeline_mode<synchronous>, transform_indices = @transform_1, window_bounds = array<i64: 512, 512>}, {pipeline_mode = #tpu.pipeline_mode<synchronous>, transform_indices = @transform_2, window_bounds = array<i64: 1, 512>}, {pipeline_mode = #tpu.pipeline_mode<synchronous>, transform_indices = @transform_3, window_bounds = array<i64: 1, 512>}, {pipeline_mode = #tpu.pipeline_mode<synchronous>, transform_indices = @transform_4, window_bounds = array<i64: 1, 1>}, {pipeline_mode = #tpu.pipeline_mode<synchronous>, transform_indices = @transform_5, window_bounds = array<i64: 10, 2048>}]} {
    %lt3A = arith.constant 8 : i32
    %lt3A_0 = arith.cmpi slt, %arg0, %lt3A : i32
    %convert_element_type3A = arith.extui %lt3A_0 : i1 to i32
    %cond3A = arith.constant 0 : i32
    %cond3A_1 = arith.cmpi ne, %convert_element_type3A, %cond3A : i32
    scf.if %cond3A_1 {
      %get3A = arith.constant 0 : index
      %get3A_6 = arith.constant 0 : index
      %get3A_7 = vector.load %arg2[%get3A, %get3A_6] : memref<2048x512xf32, #tpu.memory_space<vmem>>, vector<2048x512xf32>
      %convert_element_type3A_8 = arith.truncf %get3A_7 : vector<2048x512xf32> to vector<2048x512xbf16>
      %get3A_9 = arith.constant 0 : index
      %get3A_10 = arith.constant 0 : index
      %get3A_11 = vector.load %arg3[%get3A_9, %get3A_10] : memref<512x512xf32, #tpu.memory_space<vmem>>, vector<512x512xf32>
      %convert_element_type3A_12 = arith.truncf %get3A_11 : vector<512x512xf32> to vector<512x512xbf16>
      %dot_general3A = arith.constant dense<0.000000e+00> : vector<2048x512xf32>
      %dot_general3A_13 = tpu.matmul %convert_element_type3A_8, %convert_element_type3A_12, %dot_general3A {dimension_numbers = #tpu.dot_dimension_numbers<[1], [0], [0], [1], [0, 0, 1, 1], [], []>, transpose_lhs_hint = false} : vector<2048x512xbf16>, vector<512x512xbf16>, vector<2048x512xf32> -> vector<2048x512xf32>
      %get3A_14 = arith.constant 0 : index
      %get3A_15 = arith.constant 0 : index
      %get3A_16 = vector.load %arg4[%get3A_14, %get3A_15] : memref<1x512xf32, #tpu.memory_space<vmem>>, vector<1x512xf32>
      %add3A = vector.broadcast %get3A_16 : vector<1x512xf32> to vector<2048x512xf32>
      %add3A_17 = arith.addf %dot_general3A_13, %add3A : vector<2048x512xf32>
      %max3A = arith.constant 0.000000e+00 : f32
      %max3A_18 = vector.broadcast %max3A : f32 to vector<2048x512xf32>
      %max3A_19 = arith.maximumf %add3A_17, %max3A_18 : vector<2048x512xf32>
      %get3A_20 = arith.constant 0 : index
      %get3A_21 = arith.constant 0 : index
      %get3A_22 = vector.load %arg5[%get3A_20, %get3A_21] : memref<1x512xf32, #tpu.memory_space<vmem>>, vector<1x512xf32>
      %dot_general3A_23 = arith.constant dense<0.000000e+00> : vector<1x2048xf32>
      %dot_general3A_24 = tpu.matmul %get3A_22, %max3A_19, %dot_general3A_23 {dimension_numbers = #tpu.dot_dimension_numbers<[1], [1], [0], [0], [0, 0, 1, 0], [], []>, transpose_lhs_hint = false} : vector<1x512xf32>, vector<2048x512xf32>, vector<1x2048xf32> -> vector<1x2048xf32>
      %get3A_25 = arith.constant 0 : index
      %get3A_26 = arith.constant 0 : index
      %get3A_27 = vector.load %arg6[%get3A_25, %get3A_26] : memref<1x1xf32, #tpu.memory_space<vmem>>, vector<1x1xf32>
      %get3A_28 = vector.extract %get3A_27[0, 0] : f32 from vector<1x1xf32>
      %add3A_29 = vector.broadcast %get3A_28 : f32 to vector<1x2048xf32>
      %add3A_30 = arith.addf %dot_general3A_24, %add3A_29 : vector<1x2048xf32>
      %swap3A = arith.index_cast %arg0 : i32 to index
      %swap3A_31 = arith.constant 0 : index
      %swap3A_32 = vector.load %arg8[%swap3A, %swap3A_31] : memref<8x2048xf32, #tpu.memory_space<vmem>>, vector<1x2048xf32>
      tpu.vector_store %arg8[%swap3A, %swap3A_31], %add3A_30 {strides = array<i32>} : memref<8x2048xf32, #tpu.memory_space<vmem>>, vector<1x2048xf32>,
    } else {
    }
    %eq3A = arith.constant 8 : i32
    %eq3A_2 = arith.cmpi eq, %arg0, %eq3A : i32
    %convert_element_type3A_3 = arith.extui %eq3A_2 : i1 to i32
    %cond3A_4 = arith.constant 0 : i32
    %cond3A_5 = arith.cmpi ne, %convert_element_type3A_3, %cond3A_4 : i32
    scf.if %cond3A_5 {
      %get3A = arith.constant 0 : index
      %get3A_6 = arith.constant 0 : index
      %get3A_7 = vector.load %arg8[%get3A, %get3A_6] : memref<8x2048xf32, #tpu.memory_space<vmem>>, vector<8x2048xf32>
      %iota3A = tpu.iota {dimensions = array<i32: 0>} : vector<8x2048xi32>
      %iota3A_8 = tpu.iota {dimensions = array<i32: 1>} : vector<8x2048xi32>
      %mul3A = arith.constant 2048 : i32
      %mul3A_9 = vector.broadcast %mul3A : i32 to vector<8x2048xi32>
      %mul3A_10 = arith.muli %iota3A, %mul3A_9 : vector<8x2048xi32>
      %add3A = arith.addi %mul3A_10, %iota3A_8 : vector<8x2048xi32>
      %broadcast_in_dim3A = arith.constant 0.000000e+00 : f32
      %broadcast_in_dim3A_11 = vector.broadcast %broadcast_in_dim3A : f32 to vector<8x2048xf32>
      %get3A_12 = arith.constant 0 : index
      %get3A_13 = memref.load %arg1[%get3A_12] : memref<17xi32, #tpu.memory_space<smem>>
      %ge3A = vector.broadcast %get3A_13 : i32 to vector<8x2048xi32>
      %ge3A_14 = arith.cmpi sge, %add3A, %ge3A : vector<8x2048xi32>
      %get3A_15 = arith.constant 1 : index
      %get3A_16 = memref.load %arg1[%get3A_15] : memref<17xi32, #tpu.memory_space<smem>>
      %lt3A_17 = vector.broadcast %get3A_16 : i32 to vector<8x2048xi32>
      %lt3A_18 = arith.cmpi slt, %add3A, %lt3A_17 : vector<8x2048xi32>
      %and3A = arith.andi %ge3A_14, %lt3A_18 : vector<8x2048xi1>
      %jit3A = arith.constant 0xFF800000 : f32
      %broadcast_in_dim3A_19 = vector.broadcast %jit3A : f32 to vector<8x2048xf32>
      %select_n3A = arith.select %and3A, %get3A_7, %broadcast_in_dim3A_19 : vector<8x2048xi1>, vector<8x2048xf32>
      %reduce_max3A = vector.shape_cast %select_n3A : vector<8x2048xf32> to vector<1x8x2048xf32>
      %reduce_max3A_20 = arith.constant dense<0xFF800000> : vector<1xf32>
      %reduce_max3A_21 = vector.multi_reduction <maximumf>, %reduce_max3A, %reduce_max3A_20 [1, 2] : vector<1x8x2048xf32> to vector<1xf32>
      %reduce_max3A_22 = vector.shape_cast %reduce_max3A_21 : vector<1xf32> to vector<1x1x1xf32>
      %reduce_max3A_23 = vector.extract %reduce_max3A_22[0, 0, 0] : f32 from vector<1x1x1xf32>
      %jit3A_24 = arith.constant 0.000000e+00 : f32
      %broadcast_in_dim3A_25 = vector.broadcast %reduce_max3A_23 : f32 to vector<8x2048xf32>
      %broadcast_in_dim3A_26 = vector.broadcast %jit3A_24 : f32 to vector<8x2048xf32>
      %select_n3A_27 = arith.select %and3A, %broadcast_in_dim3A_25, %broadcast_in_dim3A_26 : vector<8x2048xi1>, vector<8x2048xf32>
      %add3A_28 = arith.addf %broadcast_in_dim3A_11, %select_n3A_27 : vector<8x2048xf32>
      %get3A_29 = arith.constant 1 : index
      %get3A_30 = memref.load %arg1[%get3A_29] : memref<17xi32, #tpu.memory_space<smem>>
      %ge3A_31 = vector.broadcast %get3A_30 : i32 to vector<8x2048xi32>
      %ge3A_32 = arith.cmpi sge, %add3A, %ge3A_31 : vector<8x2048xi32>
      %get3A_33 = arith.constant 2 : index
      %get3A_34 = memref.load %arg1[%get3A_33] : memref<17xi32, #tpu.memory_space<smem>>
      %lt3A_35 = vector.broadcast %get3A_34 : i32 to vector<8x2048xi32>
      %lt3A_36 = arith.cmpi slt, %add3A, %lt3A_35 : vector<8x2048xi32>
      %and3A_37 = arith.andi %ge3A_32, %lt3A_36 : vector<8x2048xi1>
      %jit3A_38 = arith.constant 0xFF800000 : f32
      %broadcast_in_dim3A_39 = vector.broadcast %jit3A_38 : f32 to vector<8x2048xf32>
      %select_n3A_40 = arith.select %and3A_37, %get3A_7, %broadcast_in_dim3A_39 : vector<8x2048xi1>, vector<8x2048xf32>
      %reduce_max3A_41 = vector.shape_cast %select_n3A_40 : vector<8x2048xf32> to vector<1x8x2048xf32>
      %reduce_max3A_42 = arith.constant dense<0xFF800000> : vector<1xf32>
      %reduce_max3A_43 = vector.multi_reduction <maximumf>, %reduce_max3A_41, %reduce_max3A_42 [1, 2] : vector<1x8x2048xf32> to vector<1xf32>
      %reduce_max3A_44 = vector.shape_cast %reduce_max3A_43 : vector<1xf32> to vector<1x1x1xf32>
      %reduce_max3A_45 = vector.extract %reduce_max3A_44[0, 0, 0] : f32 from vector<1x1x1xf32>
      %jit3A_46 = arith.constant 0.000000e+00 : f32
      %broadcast_in_dim3A_47 = vector.broadcast %reduce_max3A_45 : f32 to vector<8x2048xf32>
      %broadcast_in_dim3A_48 = vector.broadcast %jit3A_46 : f32 to vector<8x2048xf32>
      %select_n3A_49 = arith.select %and3A_37, %broadcast_in_dim3A_47, %broadcast_in_dim3A_48 : vector<8x2048xi1>, vector<8x2048xf32>
      %add3A_50 = arith.addf %add3A_28, %select_n3A_49 : vector<8x2048xf32>
      %get3A_51 = arith.constant 2 : index
      %get3A_52 = memref.load %arg1[%get3A_51] : memref<17xi32, #tpu.memory_space<smem>>
      %ge3A_53 = vector.broadcast %get3A_52 : i32 to vector<8x2048xi32>
      %ge3A_54 = arith.cmpi sge, %add3A, %ge3A_53 : vector<8x2048xi32>
      %get3A_55 = arith.constant 3 : index
      %get3A_56 = memref.load %arg1[%get3A_55] : memref<17xi32, #tpu.memory_space<smem>>
      %lt3A_57 = vector.broadcast %get3A_56 : i32 to vector<8x2048xi32>
      %lt3A_58 = arith.cmpi slt, %add3A, %lt3A_57 : vector<8x2048xi32>
      %and3A_59 = arith.andi %ge3A_54, %lt3A_58 : vector<8x2048xi1>
      %jit3A_60 = arith.constant 0xFF800000 : f32
      %broadcast_in_dim3A_61 = vector.broadcast %jit3A_60 : f32 to vector<8x2048xf32>
      %select_n3A_62 = arith.select %and3A_59, %get3A_7, %broadcast_in_dim3A_61 : vector<8x2048xi1>, vector<8x2048xf32>
      %reduce_max3A_63 = vector.shape_cast %select_n3A_62 : vector<8x2048xf32> to vector<1x8x2048xf32>
      %reduce_max3A_64 = arith.constant dense<0xFF800000> : vector<1xf32>
      %reduce_max3A_65 = vector.multi_reduction <maximumf>, %reduce_max3A_63, %reduce_max3A_64 [1, 2] : vector<1x8x2048xf32> to vector<1xf32>
      %reduce_max3A_66 = vector.shape_cast %reduce_max3A_65 : vector<1xf32> to vector<1x1x1xf32>
      %reduce_max3A_67 = vector.extract %reduce_max3A_66[0, 0, 0] : f32 from vector<1x1x1xf32>
      %jit3A_68 = arith.constant 0.000000e+00 : f32
      %broadcast_in_dim3A_69 = vector.broadcast %reduce_max3A_67 : f32 to vector<8x2048xf32>
      %broadcast_in_dim3A_70 = vector.broadcast %jit3A_68 : f32 to vector<8x2048xf32>
      %select_n3A_71 = arith.select %and3A_59, %broadcast_in_dim3A_69, %broadcast_in_dim3A_70 : vector<8x2048xi1>, vector<8x2048xf32>
      %add3A_72 = arith.addf %add3A_50, %select_n3A_71 : vector<8x2048xf32>
      %get3A_73 = arith.constant 3 : index
      %get3A_74 = memref.load %arg1[%get3A_73] : memref<17xi32, #tpu.memory_space<smem>>
      %ge3A_75 = vector.broadcast %get3A_74 : i32 to vector<8x2048xi32>
      %ge3A_76 = arith.cmpi sge, %add3A, %ge3A_75 : vector<8x2048xi32>
      %get3A_77 = arith.constant 4 : index
      %get3A_78 = memref.load %arg1[%get3A_77] : memref<17xi32, #tpu.memory_space<smem>>
      %lt3A_79 = vector.broadcast %get3A_78 : i32 to vector<8x2048xi32>
      %lt3A_80 = arith.cmpi slt, %add3A, %lt3A_79 : vector<8x2048xi32>
      %and3A_81 = arith.andi %ge3A_76, %lt3A_80 : vector<8x2048xi1>
      %jit3A_82 = arith.constant 0xFF800000 : f32
      %broadcast_in_dim3A_83 = vector.broadcast %jit3A_82 : f32 to vector<8x2048xf32>
      %select_n3A_84 = arith.select %and3A_81, %get3A_7, %broadcast_in_dim3A_83 : vector<8x2048xi1>, vector<8x2048xf32>
      %reduce_max3A_85 = vector.shape_cast %select_n3A_84 : vector<8x2048xf32> to vector<1x8x2048xf32>
      %reduce_max3A_86 = arith.constant dense<0xFF800000> : vector<1xf32>
      %reduce_max3A_87 = vector.multi_reduction <maximumf>, %reduce_max3A_85, %reduce_max3A_86 [1, 2] : vector<1x8x2048xf32> to vector<1xf32>
      %reduce_max3A_88 = vector.shape_cast %reduce_max3A_87 : vector<1xf32> to vector<1x1x1xf32>
      %reduce_max3A_89 = vector.extract %reduce_max3A_88[0, 0, 0] : f32 from vector<1x1x1xf32>
      %jit3A_90 = arith.constant 0.000000e+00 : f32
      %broadcast_in_dim3A_91 = vector.broadcast %reduce_max3A_89 : f32 to vector<8x2048xf32>
      %broadcast_in_dim3A_92 = vector.broadcast %jit3A_90 : f32 to vector<8x2048xf32>
      %select_n3A_93 = arith.select %and3A_81, %broadcast_in_dim3A_91, %broadcast_in_dim3A_92 : vector<8x2048xi1>, vector<8x2048xf32>
      %add3A_94 = arith.addf %add3A_72, %select_n3A_93 : vector<8x2048xf32>
      %get3A_95 = arith.constant 4 : index
      %get3A_96 = memref.load %arg1[%get3A_95] : memref<17xi32, #tpu.memory_space<smem>>
      %ge3A_97 = vector.broadcast %get3A_96 : i32 to vector<8x2048xi32>
      %ge3A_98 = arith.cmpi sge, %add3A, %ge3A_97 : vector<8x2048xi32>
      %get3A_99 = arith.constant 5 : index
      %get3A_100 = memref.load %arg1[%get3A_99] : memref<17xi32, #tpu.memory_space<smem>>
      %lt3A_101 = vector.broadcast %get3A_100 : i32 to vector<8x2048xi32>
      %lt3A_102 = arith.cmpi slt, %add3A, %lt3A_101 : vector<8x2048xi32>
      %and3A_103 = arith.andi %ge3A_98, %lt3A_102 : vector<8x2048xi1>
      %jit3A_104 = arith.constant 0xFF800000 : f32
      %broadcast_in_dim3A_105 = vector.broadcast %jit3A_104 : f32 to vector<8x2048xf32>
      %select_n3A_106 = arith.select %and3A_103, %get3A_7, %broadcast_in_dim3A_105 : vector<8x2048xi1>, vector<8x2048xf32>
      %reduce_max3A_107 = vector.shape_cast %select_n3A_106 : vector<8x2048xf32> to vector<1x8x2048xf32>
      %reduce_max3A_108 = arith.constant dense<0xFF800000> : vector<1xf32>
      %reduce_max3A_109 = vector.multi_reduction <maximumf>, %reduce_max3A_107, %reduce_max3A_108 [1, 2] : vector<1x8x2048xf32> to vector<1xf32>
      %reduce_max3A_110 = vector.shape_cast %reduce_max3A_109 : vector<1xf32> to vector<1x1x1xf32>
      %reduce_max3A_111 = vector.extract %reduce_max3A_110[0, 0, 0] : f32 from vector<1x1x1xf32>
      %jit3A_112 = arith.constant 0.000000e+00 : f32
      %broadcast_in_dim3A_113 = vector.broadcast %reduce_max3A_111 : f32 to vector<8x2048xf32>
      %broadcast_in_dim3A_114 = vector.broadcast %jit3A_112 : f32 to vector<8x2048xf32>
      %select_n3A_115 = arith.select %and3A_103, %broadcast_in_dim3A_113, %broadcast_in_dim3A_114 : vector<8x2048xi1>, vector<8x2048xf32>
      %add3A_116 = arith.addf %add3A_94, %select_n3A_115 : vector<8x2048xf32>
      %get3A_117 = arith.constant 5 : index
      %get3A_118 = memref.load %arg1[%get3A_117] : memref<17xi32, #tpu.memory_space<smem>>
      %ge3A_119 = vector.broadcast %get3A_118 : i32 to vector<8x2048xi32>
      %ge3A_120 = arith.cmpi sge, %add3A, %ge3A_119 : vector<8x2048xi32>
      %get3A_121 = arith.constant 6 : index
      %get3A_122 = memref.load %arg1[%get3A_121] : memref<17xi32, #tpu.memory_space<smem>>
      %lt3A_123 = vector.broadcast %get3A_122 : i32 to vector<8x2048xi32>
      %lt3A_124 = arith.cmpi slt, %add3A, %lt3A_123 : vector<8x2048xi32>
      %and3A_125 = arith.andi %ge3A_120, %lt3A_124 : vector<8x2048xi1>
      %jit3A_126 = arith.constant 0xFF800000 : f32
      %broadcast_in_dim3A_127 = vector.broadcast %jit3A_126 : f32 to vector<8x2048xf32>
      %select_n3A_128 = arith.select %and3A_125, %get3A_7, %broadcast_in_dim3A_127 : vector<8x2048xi1>, vector<8x2048xf32>
      %reduce_max3A_129 = vector.shape_cast %select_n3A_128 : vector<8x2048xf32> to vector<1x8x2048xf32>
      %reduce_max3A_130 = arith.constant dense<0xFF800000> : vector<1xf32>
      %reduce_max3A_131 = vector.multi_reduction <maximumf>, %reduce_max3A_129, %reduce_max3A_130 [1, 2] : vector<1x8x2048xf32> to vector<1xf32>
      %reduce_max3A_132 = vector.shape_cast %reduce_max3A_131 : vector<1xf32> to vector<1x1x1xf32>
      %reduce_max3A_133 = vector.extract %reduce_max3A_132[0, 0, 0] : f32 from vector<1x1x1xf32>
      %jit3A_134 = arith.constant 0.000000e+00 : f32
      %broadcast_in_dim3A_135 = vector.broadcast %reduce_max3A_133 : f32 to vector<8x2048xf32>
      %broadcast_in_dim3A_136 = vector.broadcast %jit3A_134 : f32 to vector<8x2048xf32>
      %select_n3A_137 = arith.select %and3A_125, %broadcast_in_dim3A_135, %broadcast_in_dim3A_136 : vector<8x2048xi1>, vector<8x2048xf32>
      %add3A_138 = arith.addf %add3A_116, %select_n3A_137 : vector<8x2048xf32>
      %get3A_139 = arith.constant 6 : index
      %get3A_140 = memref.load %arg1[%get3A_139] : memref<17xi32, #tpu.memory_space<smem>>
      %ge3A_141 = vector.broadcast %get3A_140 : i32 to vector<8x2048xi32>
      %ge3A_142 = arith.cmpi sge, %add3A, %ge3A_141 : vector<8x2048xi32>
      %get3A_143 = arith.constant 7 : index
      %get3A_144 = memref.load %arg1[%get3A_143] : memref<17xi32, #tpu.memory_space<smem>>
      %lt3A_145 = vector.broadcast %get3A_144 : i32 to vector<8x2048xi32>
      %lt3A_146 = arith.cmpi slt, %add3A, %lt3A_145 : vector<8x2048xi32>
      %and3A_147 = arith.andi %ge3A_142, %lt3A_146 : vector<8x2048xi1>
      %jit3A_148 = arith.constant 0xFF800000 : f32
      %broadcast_in_dim3A_149 = vector.broadcast %jit3A_148 : f32 to vector<8x2048xf32>
      %select_n3A_150 = arith.select %and3A_147, %get3A_7, %broadcast_in_dim3A_149 : vector<8x2048xi1>, vector<8x2048xf32>
      %reduce_max3A_151 = vector.shape_cast %select_n3A_150 : vector<8x2048xf32> to vector<1x8x2048xf32>
      %reduce_max3A_152 = arith.constant dense<0xFF800000> : vector<1xf32>
      %reduce_max3A_153 = vector.multi_reduction <maximumf>, %reduce_max3A_151, %reduce_max3A_152 [1, 2] : vector<1x8x2048xf32> to vector<1xf32>
      %reduce_max3A_154 = vector.shape_cast %reduce_max3A_153 : vector<1xf32> to vector<1x1x1xf32>
      %reduce_max3A_155 = vector.extract %reduce_max3A_154[0, 0, 0] : f32 from vector<1x1x1xf32>
      %jit3A_156 = arith.constant 0.000000e+00 : f32
      %broadcast_in_dim3A_157 = vector.broadcast %reduce_max3A_155 : f32 to vector<8x2048xf32>
      %broadcast_in_dim3A_158 = vector.broadcast %jit3A_156 : f32 to vector<8x2048xf32>
      %select_n3A_159 = arith.select %and3A_147, %broadcast_in_dim3A_157, %broadcast_in_dim3A_158 : vector<8x2048xi1>, vector<8x2048xf32>
      %add3A_160 = arith.addf %add3A_138, %select_n3A_159 : vector<8x2048xf32>
      %get3A_161 = arith.constant 7 : index
      %get3A_162 = memref.load %arg1[%get3A_161] : memref<17xi32, #tpu.memory_space<smem>>
      %ge3A_163 = vector.broadcast %get3A_162 : i32 to vector<8x2048xi32>
      %ge3A_164 = arith.cmpi sge, %add3A, %ge3A_163 : vector<8x2048xi32>
      %get3A_165 = arith.constant 8 : index
      %get3A_166 = memref.load %arg1[%get3A_165] : memref<17xi32, #tpu.memory_space<smem>>
      %lt3A_167 = vector.broadcast %get3A_166 : i32 to vector<8x2048xi32>
      %lt3A_168 = arith.cmpi slt, %add3A, %lt3A_167 : vector<8x2048xi32>
      %and3A_169 = arith.andi %ge3A_164, %lt3A_168 : vector<8x2048xi1>
      %jit3A_170 = arith.constant 0xFF800000 : f32
      %broadcast_in_dim3A_171 = vector.broadcast %jit3A_170 : f32 to vector<8x2048xf32>
      %select_n3A_172 = arith.select %and3A_169, %get3A_7, %broadcast_in_dim3A_171 : vector<8x2048xi1>, vector<8x2048xf32>
      %reduce_max3A_173 = vector.shape_cast %select_n3A_172 : vector<8x2048xf32> to vector<1x8x2048xf32>
      %reduce_max3A_174 = arith.constant dense<0xFF800000> : vector<1xf32>
      %reduce_max3A_175 = vector.multi_reduction <maximumf>, %reduce_max3A_173, %reduce_max3A_174 [1, 2] : vector<1x8x2048xf32> to vector<1xf32>
      %reduce_max3A_176 = vector.shape_cast %reduce_max3A_175 : vector<1xf32> to vector<1x1x1xf32>
      %reduce_max3A_177 = vector.extract %reduce_max3A_176[0, 0, 0] : f32 from vector<1x1x1xf32>
      %jit3A_178 = arith.constant 0.000000e+00 : f32
      %broadcast_in_dim3A_179 = vector.broadcast %reduce_max3A_177 : f32 to vector<8x2048xf32>
      %broadcast_in_dim3A_180 = vector.broadcast %jit3A_178 : f32 to vector<8x2048xf32>
      %select_n3A_181 = arith.select %and3A_169, %broadcast_in_dim3A_179, %broadcast_in_dim3A_180 : vector<8x2048xi1>, vector<8x2048xf32>
      %add3A_182 = arith.addf %add3A_160, %select_n3A_181 : vector<8x2048xf32>
      %get3A_183 = arith.constant 8 : index
      %get3A_184 = memref.load %arg1[%get3A_183] : memref<17xi32, #tpu.memory_space<smem>>
      %ge3A_185 = vector.broadcast %get3A_184 : i32 to vector<8x2048xi32>
      %ge3A_186 = arith.cmpi sge, %add3A, %ge3A_185 : vector<8x2048xi32>
      %get3A_187 = arith.constant 9 : index
      %get3A_188 = memref.load %arg1[%get3A_187] : memref<17xi32, #tpu.memory_space<smem>>
      %lt3A_189 = vector.broadcast %get3A_188 : i32 to vector<8x2048xi32>
      %lt3A_190 = arith.cmpi slt, %add3A, %lt3A_189 : vector<8x2048xi32>
      %and3A_191 = arith.andi %ge3A_186, %lt3A_190 : vector<8x2048xi1>
      %jit3A_192 = arith.constant 0xFF800000 : f32
      %broadcast_in_dim3A_193 = vector.broadcast %jit3A_192 : f32 to vector<8x2048xf32>
      %select_n3A_194 = arith.select %and3A_191, %get3A_7, %broadcast_in_dim3A_193 : vector<8x2048xi1>, vector<8x2048xf32>
      %reduce_max3A_195 = vector.shape_cast %select_n3A_194 : vector<8x2048xf32> to vector<1x8x2048xf32>
      %reduce_max3A_196 = arith.constant dense<0xFF800000> : vector<1xf32>
      %reduce_max3A_197 = vector.multi_reduction <maximumf>, %reduce_max3A_195, %reduce_max3A_196 [1, 2] : vector<1x8x2048xf32> to vector<1xf32>
      %reduce_max3A_198 = vector.shape_cast %reduce_max3A_197 : vector<1xf32> to vector<1x1x1xf32>
      %reduce_max3A_199 = vector.extract %reduce_max3A_198[0, 0, 0] : f32 from vector<1x1x1xf32>
      %jit3A_200 = arith.constant 0.000000e+00 : f32
      %broadcast_in_dim3A_201 = vector.broadcast %reduce_max3A_199 : f32 to vector<8x2048xf32>
      %broadcast_in_dim3A_202 = vector.broadcast %jit3A_200 : f32 to vector<8x2048xf32>
      %select_n3A_203 = arith.select %and3A_191, %broadcast_in_dim3A_201, %broadcast_in_dim3A_202 : vector<8x2048xi1>, vector<8x2048xf32>
      %add3A_204 = arith.addf %add3A_182, %select_n3A_203 : vector<8x2048xf32>
      %get3A_205 = arith.constant 9 : index
      %get3A_206 = memref.load %arg1[%get3A_205] : memref<17xi32, #tpu.memory_space<smem>>
      %ge3A_207 = vector.broadcast %get3A_206 : i32 to vector<8x2048xi32>
      %ge3A_208 = arith.cmpi sge, %add3A, %ge3A_207 : vector<8x2048xi32>
      %get3A_209 = arith.constant 10 : index
      %get3A_210 = memref.load %arg1[%get3A_209] : memref<17xi32, #tpu.memory_space<smem>>
      %lt3A_211 = vector.broadcast %get3A_210 : i32 to vector<8x2048xi32>
      %lt3A_212 = arith.cmpi slt, %add3A, %lt3A_211 : vector<8x2048xi32>
      %and3A_213 = arith.andi %ge3A_208, %lt3A_212 : vector<8x2048xi1>
      %jit3A_214 = arith.constant 0xFF800000 : f32
      %broadcast_in_dim3A_215 = vector.broadcast %jit3A_214 : f32 to vector<8x2048xf32>
      %select_n3A_216 = arith.select %and3A_213, %get3A_7, %broadcast_in_dim3A_215 : vector<8x2048xi1>, vector<8x2048xf32>
      %reduce_max3A_217 = vector.shape_cast %select_n3A_216 : vector<8x2048xf32> to vector<1x8x2048xf32>
      %reduce_max3A_218 = arith.constant dense<0xFF800000> : vector<1xf32>
      %reduce_max3A_219 = vector.multi_reduction <maximumf>, %reduce_max3A_217, %reduce_max3A_218 [1, 2] : vector<1x8x2048xf32> to vector<1xf32>
      %reduce_max3A_220 = vector.shape_cast %reduce_max3A_219 : vector<1xf32> to vector<1x1x1xf32>
      %reduce_max3A_221 = vector.extract %reduce_max3A_220[0, 0, 0] : f32 from vector<1x1x1xf32>
      %jit3A_222 = arith.constant 0.000000e+00 : f32
      %broadcast_in_dim3A_223 = vector.broadcast %reduce_max3A_221 : f32 to vector<8x2048xf32>
      %broadcast_in_dim3A_224 = vector.broadcast %jit3A_222 : f32 to vector<8x2048xf32>
      %select_n3A_225 = arith.select %and3A_213, %broadcast_in_dim3A_223, %broadcast_in_dim3A_224 : vector<8x2048xi1>, vector<8x2048xf32>
      %add3A_226 = arith.addf %add3A_204, %select_n3A_225 : vector<8x2048xf32>
      %get3A_227 = arith.constant 10 : index
      %get3A_228 = memref.load %arg1[%get3A_227] : memref<17xi32, #tpu.memory_space<smem>>
      %ge3A_229 = vector.broadcast %get3A_228 : i32 to vector<8x2048xi32>
      %ge3A_230 = arith.cmpi sge, %add3A, %ge3A_229 : vector<8x2048xi32>
      %get3A_231 = arith.constant 11 : index
      %get3A_232 = memref.load %arg1[%get3A_231] : memref<17xi32, #tpu.memory_space<smem>>
      %lt3A_233 = vector.broadcast %get3A_232 : i32 to vector<8x2048xi32>
      %lt3A_234 = arith.cmpi slt, %add3A, %lt3A_233 : vector<8x2048xi32>
      %and3A_235 = arith.andi %ge3A_230, %lt3A_234 : vector<8x2048xi1>
      %jit3A_236 = arith.constant 0xFF800000 : f32
      %broadcast_in_dim3A_237 = vector.broadcast %jit3A_236 : f32 to vector<8x2048xf32>
      %select_n3A_238 = arith.select %and3A_235, %get3A_7, %broadcast_in_dim3A_237 : vector<8x2048xi1>, vector<8x2048xf32>
      %reduce_max3A_239 = vector.shape_cast %select_n3A_238 : vector<8x2048xf32> to vector<1x8x2048xf32>
      %reduce_max3A_240 = arith.constant dense<0xFF800000> : vector<1xf32>
      %reduce_max3A_241 = vector.multi_reduction <maximumf>, %reduce_max3A_239, %reduce_max3A_240 [1, 2] : vector<1x8x2048xf32> to vector<1xf32>
      %reduce_max3A_242 = vector.shape_cast %reduce_max3A_241 : vector<1xf32> to vector<1x1x1xf32>
      %reduce_max3A_243 = vector.extract %reduce_max3A_242[0, 0, 0] : f32 from vector<1x1x1xf32>
      %jit3A_244 = arith.constant 0.000000e+00 : f32
      %broadcast_in_dim3A_245 = vector.broadcast %reduce_max3A_243 : f32 to vector<8x2048xf32>
      %broadcast_in_dim3A_246 = vector.broadcast %jit3A_244 : f32 to vector<8x2048xf32>
      %select_n3A_247 = arith.select %and3A_235, %broadcast_in_dim3A_245, %broadcast_in_dim3A_246 : vector<8x2048xi1>, vector<8x2048xf32>
      %add3A_248 = arith.addf %add3A_226, %select_n3A_247 : vector<8x2048xf32>
      %get3A_249 = arith.constant 11 : index
      %get3A_250 = memref.load %arg1[%get3A_249] : memref<17xi32, #tpu.memory_space<smem>>
      %ge3A_251 = vector.broadcast %get3A_250 : i32 to vector<8x2048xi32>
      %ge3A_252 = arith.cmpi sge, %add3A, %ge3A_251 : vector<8x2048xi32>
      %get3A_253 = arith.constant 12 : index
      %get3A_254 = memref.load %arg1[%get3A_253] : memref<17xi32, #tpu.memory_space<smem>>
      %lt3A_255 = vector.broadcast %get3A_254 : i32 to vector<8x2048xi32>
      %lt3A_256 = arith.cmpi slt, %add3A, %lt3A_255 : vector<8x2048xi32>
      %and3A_257 = arith.andi %ge3A_252, %lt3A_256 : vector<8x2048xi1>
      %jit3A_258 = arith.constant 0xFF800000 : f32
      %broadcast_in_dim3A_259 = vector.broadcast %jit3A_258 : f32 to vector<8x2048xf32>
      %select_n3A_260 = arith.select %and3A_257, %get3A_7, %broadcast_in_dim3A_259 : vector<8x2048xi1>, vector<8x2048xf32>
      %reduce_max3A_261 = vector.shape_cast %select_n3A_260 : vector<8x2048xf32> to vector<1x8x2048xf32>
      %reduce_max3A_262 = arith.constant dense<0xFF800000> : vector<1xf32>
      %reduce_max3A_263 = vector.multi_reduction <maximumf>, %reduce_max3A_261, %reduce_max3A_262 [1, 2] : vector<1x8x2048xf32> to vector<1xf32>
      %reduce_max3A_264 = vector.shape_cast %reduce_max3A_263 : vector<1xf32> to vector<1x1x1xf32>
      %reduce_max3A_265 = vector.extract %reduce_max3A_264[0, 0, 0] : f32 from vector<1x1x1xf32>
      %jit3A_266 = arith.constant 0.000000e+00 : f32
      %broadcast_in_dim3A_267 = vector.broadcast %reduce_max3A_265 : f32 to vector<8x2048xf32>
      %broadcast_in_dim3A_268 = vector.broadcast %jit3A_266 : f32 to vector<8x2048xf32>
      %select_n3A_269 = arith.select %and3A_257, %broadcast_in_dim3A_267, %broadcast_in_dim3A_268 : vector<8x2048xi1>, vector<8x2048xf32>
      %add3A_270 = arith.addf %add3A_248, %select_n3A_269 : vector<8x2048xf32>
      %get3A_271 = arith.constant 12 : index
      %get3A_272 = memref.load %arg1[%get3A_271] : memref<17xi32, #tpu.memory_space<smem>>
      %ge3A_273 = vector.broadcast %get3A_272 : i32 to vector<8x2048xi32>
      %ge3A_274 = arith.cmpi sge, %add3A, %ge3A_273 : vector<8x2048xi32>
      %get3A_275 = arith.constant 13 : index
      %get3A_276 = memref.load %arg1[%get3A_275] : memref<17xi32, #tpu.memory_space<smem>>
      %lt3A_277 = vector.broadcast %get3A_276 : i32 to vector<8x2048xi32>
      %lt3A_278 = arith.cmpi slt, %add3A, %lt3A_277 : vector<8x2048xi32>
      %and3A_279 = arith.andi %ge3A_274, %lt3A_278 : vector<8x2048xi1>
      %jit3A_280 = arith.constant 0xFF800000 : f32
      %broadcast_in_dim3A_281 = vector.broadcast %jit3A_280 : f32 to vector<8x2048xf32>
      %select_n3A_282 = arith.select %and3A_279, %get3A_7, %broadcast_in_dim3A_281 : vector<8x2048xi1>, vector<8x2048xf32>
      %reduce_max3A_283 = vector.shape_cast %select_n3A_282 : vector<8x2048xf32> to vector<1x8x2048xf32>
      %reduce_max3A_284 = arith.constant dense<0xFF800000> : vector<1xf32>
      %reduce_max3A_285 = vector.multi_reduction <maximumf>, %reduce_max3A_283, %reduce_max3A_284 [1, 2] : vector<1x8x2048xf32> to vector<1xf32>
      %reduce_max3A_286 = vector.shape_cast %reduce_max3A_285 : vector<1xf32> to vector<1x1x1xf32>
      %reduce_max3A_287 = vector.extract %reduce_max3A_286[0, 0, 0] : f32 from vector<1x1x1xf32>
      %jit3A_288 = arith.constant 0.000000e+00 : f32
      %broadcast_in_dim3A_289 = vector.broadcast %reduce_max3A_287 : f32 to vector<8x2048xf32>
      %broadcast_in_dim3A_290 = vector.broadcast %jit3A_288 : f32 to vector<8x2048xf32>
      %select_n3A_291 = arith.select %and3A_279, %broadcast_in_dim3A_289, %broadcast_in_dim3A_290 : vector<8x2048xi1>, vector<8x2048xf32>
      %add3A_292 = arith.addf %add3A_270, %select_n3A_291 : vector<8x2048xf32>
      %get3A_293 = arith.constant 13 : index
      %get3A_294 = memref.load %arg1[%get3A_293] : memref<17xi32, #tpu.memory_space<smem>>
      %ge3A_295 = vector.broadcast %get3A_294 : i32 to vector<8x2048xi32>
      %ge3A_296 = arith.cmpi sge, %add3A, %ge3A_295 : vector<8x2048xi32>
      %get3A_297 = arith.constant 14 : index
      %get3A_298 = memref.load %arg1[%get3A_297] : memref<17xi32, #tpu.memory_space<smem>>
      %lt3A_299 = vector.broadcast %get3A_298 : i32 to vector<8x2048xi32>
      %lt3A_300 = arith.cmpi slt, %add3A, %lt3A_299 : vector<8x2048xi32>
      %and3A_301 = arith.andi %ge3A_296, %lt3A_300 : vector<8x2048xi1>
      %jit3A_302 = arith.constant 0xFF800000 : f32
      %broadcast_in_dim3A_303 = vector.broadcast %jit3A_302 : f32 to vector<8x2048xf32>
      %select_n3A_304 = arith.select %and3A_301, %get3A_7, %broadcast_in_dim3A_303 : vector<8x2048xi1>, vector<8x2048xf32>
      %reduce_max3A_305 = vector.shape_cast %select_n3A_304 : vector<8x2048xf32> to vector<1x8x2048xf32>
      %reduce_max3A_306 = arith.constant dense<0xFF800000> : vector<1xf32>
      %reduce_max3A_307 = vector.multi_reduction <maximumf>, %reduce_max3A_305, %reduce_max3A_306 [1, 2] : vector<1x8x2048xf32> to vector<1xf32>
      %reduce_max3A_308 = vector.shape_cast %reduce_max3A_307 : vector<1xf32> to vector<1x1x1xf32>
      %reduce_max3A_309 = vector.extract %reduce_max3A_308[0, 0, 0] : f32 from vector<1x1x1xf32>
      %jit3A_310 = arith.constant 0.000000e+00 : f32
      %broadcast_in_dim3A_311 = vector.broadcast %reduce_max3A_309 : f32 to vector<8x2048xf32>
      %broadcast_in_dim3A_312 = vector.broadcast %jit3A_310 : f32 to vector<8x2048xf32>
      %select_n3A_313 = arith.select %and3A_301, %broadcast_in_dim3A_311, %broadcast_in_dim3A_312 : vector<8x2048xi1>, vector<8x2048xf32>
      %add3A_314 = arith.addf %add3A_292, %select_n3A_313 : vector<8x2048xf32>
      %get3A_315 = arith.constant 14 : index
      %get3A_316 = memref.load %arg1[%get3A_315] : memref<17xi32, #tpu.memory_space<smem>>
      %ge3A_317 = vector.broadcast %get3A_316 : i32 to vector<8x2048xi32>
      %ge3A_318 = arith.cmpi sge, %add3A, %ge3A_317 : vector<8x2048xi32>
      %get3A_319 = arith.constant 15 : index
      %get3A_320 = memref.load %arg1[%get3A_319] : memref<17xi32, #tpu.memory_space<smem>>
      %lt3A_321 = vector.broadcast %get3A_320 : i32 to vector<8x2048xi32>
      %lt3A_322 = arith.cmpi slt, %add3A, %lt3A_321 : vector<8x2048xi32>
      %and3A_323 = arith.andi %ge3A_318, %lt3A_322 : vector<8x2048xi1>
      %jit3A_324 = arith.constant 0xFF800000 : f32
      %broadcast_in_dim3A_325 = vector.broadcast %jit3A_324 : f32 to vector<8x2048xf32>
      %select_n3A_326 = arith.select %and3A_323, %get3A_7, %broadcast_in_dim3A_325 : vector<8x2048xi1>, vector<8x2048xf32>
      %reduce_max3A_327 = vector.shape_cast %select_n3A_326 : vector<8x2048xf32> to vector<1x8x2048xf32>
      %reduce_max3A_328 = arith.constant dense<0xFF800000> : vector<1xf32>
      %reduce_max3A_329 = vector.multi_reduction <maximumf>, %reduce_max3A_327, %reduce_max3A_328 [1, 2] : vector<1x8x2048xf32> to vector<1xf32>
      %reduce_max3A_330 = vector.shape_cast %reduce_max3A_329 : vector<1xf32> to vector<1x1x1xf32>
      %reduce_max3A_331 = vector.extract %reduce_max3A_330[0, 0, 0] : f32 from vector<1x1x1xf32>
      %jit3A_332 = arith.constant 0.000000e+00 : f32
      %broadcast_in_dim3A_333 = vector.broadcast %reduce_max3A_331 : f32 to vector<8x2048xf32>
      %broadcast_in_dim3A_334 = vector.broadcast %jit3A_332 : f32 to vector<8x2048xf32>
      %select_n3A_335 = arith.select %and3A_323, %broadcast_in_dim3A_333, %broadcast_in_dim3A_334 : vector<8x2048xi1>, vector<8x2048xf32>
      %add3A_336 = arith.addf %add3A_314, %select_n3A_335 : vector<8x2048xf32>
      %get3A_337 = arith.constant 15 : index
      %get3A_338 = memref.load %arg1[%get3A_337] : memref<17xi32, #tpu.memory_space<smem>>
      %ge3A_339 = vector.broadcast %get3A_338 : i32 to vector<8x2048xi32>
      %ge3A_340 = arith.cmpi sge, %add3A, %ge3A_339 : vector<8x2048xi32>
      %get3A_341 = arith.constant 16 : index
      %get3A_342 = memref.load %arg1[%get3A_341] : memref<17xi32, #tpu.memory_space<smem>>
      %lt3A_343 = vector.broadcast %get3A_342 : i32 to vector<8x2048xi32>
      %lt3A_344 = arith.cmpi slt, %add3A, %lt3A_343 : vector<8x2048xi32>
      %and3A_345 = arith.andi %ge3A_340, %lt3A_344 : vector<8x2048xi1>
      %jit3A_346 = arith.constant 0xFF800000 : f32
      %broadcast_in_dim3A_347 = vector.broadcast %jit3A_346 : f32 to vector<8x2048xf32>
      %select_n3A_348 = arith.select %and3A_345, %get3A_7, %broadcast_in_dim3A_347 : vector<8x2048xi1>, vector<8x2048xf32>
      %reduce_max3A_349 = vector.shape_cast %select_n3A_348 : vector<8x2048xf32> to vector<1x8x2048xf32>
      %reduce_max3A_350 = arith.constant dense<0xFF800000> : vector<1xf32>
      %reduce_max3A_351 = vector.multi_reduction <maximumf>, %reduce_max3A_349, %reduce_max3A_350 [1, 2] : vector<1x8x2048xf32> to vector<1xf32>
      %reduce_max3A_352 = vector.shape_cast %reduce_max3A_351 : vector<1xf32> to vector<1x1x1xf32>
      %reduce_max3A_353 = vector.extract %reduce_max3A_352[0, 0, 0] : f32 from vector<1x1x1xf32>
      %jit3A_354 = arith.constant 0.000000e+00 : f32
      %broadcast_in_dim3A_355 = vector.broadcast %reduce_max3A_353 : f32 to vector<8x2048xf32>
      %broadcast_in_dim3A_356 = vector.broadcast %jit3A_354 : f32 to vector<8x2048xf32>
      %select_n3A_357 = arith.select %and3A_345, %broadcast_in_dim3A_355, %broadcast_in_dim3A_356 : vector<8x2048xi1>, vector<8x2048xf32>
      %add3A_358 = arith.addf %add3A_336, %select_n3A_357 : vector<8x2048xf32>
      %sub3A = arith.subf %get3A_7, %add3A_358 : vector<8x2048xf32>
      %exp3A = math.exp %sub3A : vector<8x2048xf32>
      %broadcast_in_dim3A_359 = arith.constant 1.000000e+00 : f32
      %broadcast_in_dim3A_360 = vector.broadcast %broadcast_in_dim3A_359 : f32 to vector<8x2048xf32>
      %jit3A_361 = arith.constant 0.000000e+00 : f32
      %broadcast_in_dim3A_362 = vector.broadcast %jit3A_361 : f32 to vector<8x2048xf32>
      %select_n3A_363 = arith.select %and3A, %exp3A, %broadcast_in_dim3A_362 : vector<8x2048xi1>, vector<8x2048xf32>
      %reduce_sum3A = vector.shape_cast %select_n3A_363 : vector<8x2048xf32> to vector<1x8x2048xf32>
      %reduce_sum3A_364 = arith.constant dense<0.000000e+00> : vector<1xf32>
      %reduce_sum3A_365 = vector.multi_reduction <add>, %reduce_sum3A, %reduce_sum3A_364 [1, 2] : vector<1x8x2048xf32> to vector<1xf32>
      %reduce_sum3A_366 = vector.shape_cast %reduce_sum3A_365 : vector<1xf32> to vector<1x1x1xf32>
      %reduce_sum3A_367 = vector.extract %reduce_sum3A_366[0, 0, 0] : f32 from vector<1x1x1xf32>
      %sub3A_368 = arith.constant 1.000000e+00 : f32
      %sub3A_369 = arith.subf %reduce_sum3A_367, %sub3A_368 : f32
      %jit3A_370 = arith.constant 0.000000e+00 : f32
      %broadcast_in_dim3A_371 = vector.broadcast %sub3A_369 : f32 to vector<8x2048xf32>
      %broadcast_in_dim3A_372 = vector.broadcast %jit3A_370 : f32 to vector<8x2048xf32>
      %select_n3A_373 = arith.select %and3A, %broadcast_in_dim3A_371, %broadcast_in_dim3A_372 : vector<8x2048xi1>, vector<8x2048xf32>
      %add3A_374 = arith.addf %broadcast_in_dim3A_360, %select_n3A_373 : vector<8x2048xf32>
      %jit3A_375 = arith.constant 0.000000e+00 : f32
      %broadcast_in_dim3A_376 = vector.broadcast %jit3A_375 : f32 to vector<8x2048xf32>
      %select_n3A_377 = arith.select %and3A_37, %exp3A, %broadcast_in_dim3A_376 : vector<8x2048xi1>, vector<8x2048xf32>
      %reduce_sum3A_378 = vector.shape_cast %select_n3A_377 : vector<8x2048xf32> to vector<1x8x2048xf32>
      %reduce_sum3A_379 = arith.constant dense<0.000000e+00> : vector<1xf32>
      %reduce_sum3A_380 = vector.multi_reduction <add>, %reduce_sum3A_378, %reduce_sum3A_379 [1, 2] : vector<1x8x2048xf32> to vector<1xf32>
      %reduce_sum3A_381 = vector.shape_cast %reduce_sum3A_380 : vector<1xf32> to vector<1x1x1xf32>
      %reduce_sum3A_382 = vector.extract %reduce_sum3A_381[0, 0, 0] : f32 from vector<1x1x1xf32>
      %sub3A_383 = arith.constant 1.000000e+00 : f32
      %sub3A_384 = arith.subf %reduce_sum3A_382, %sub3A_383 : f32
      %jit3A_385 = arith.constant 0.000000e+00 : f32
      %broadcast_in_dim3A_386 = vector.broadcast %sub3A_384 : f32 to vector<8x2048xf32>
      %broadcast_in_dim3A_387 = vector.broadcast %jit3A_385 : f32 to vector<8x2048xf32>
      %select_n3A_388 = arith.select %and3A_37, %broadcast_in_dim3A_386, %broadcast_in_dim3A_387 : vector<8x2048xi1>, vector<8x2048xf32>
      %add3A_389 = arith.addf %add3A_374, %select_n3A_388 : vector<8x2048xf32>
      %jit3A_390 = arith.constant 0.000000e+00 : f32
      %broadcast_in_dim3A_391 = vector.broadcast %jit3A_390 : f32 to vector<8x2048xf32>
      %select_n3A_392 = arith.select %and3A_59, %exp3A, %broadcast_in_dim3A_391 : vector<8x2048xi1>, vector<8x2048xf32>
      %reduce_sum3A_393 = vector.shape_cast %select_n3A_392 : vector<8x2048xf32> to vector<1x8x2048xf32>
      %reduce_sum3A_394 = arith.constant dense<0.000000e+00> : vector<1xf32>
      %reduce_sum3A_395 = vector.multi_reduction <add>, %reduce_sum3A_393, %reduce_sum3A_394 [1, 2] : vector<1x8x2048xf32> to vector<1xf32>
      %reduce_sum3A_396 = vector.shape_cast %reduce_sum3A_395 : vector<1xf32> to vector<1x1x1xf32>
      %reduce_sum3A_397 = vector.extract %reduce_sum3A_396[0, 0, 0] : f32 from vector<1x1x1xf32>
      %sub3A_398 = arith.constant 1.000000e+00 : f32
      %sub3A_399 = arith.subf %reduce_sum3A_397, %sub3A_398 : f32
      %jit3A_400 = arith.constant 0.000000e+00 : f32
      %broadcast_in_dim3A_401 = vector.broadcast %sub3A_399 : f32 to vector<8x2048xf32>
      %broadcast_in_dim3A_402 = vector.broadcast %jit3A_400 : f32 to vector<8x2048xf32>
      %select_n3A_403 = arith.select %and3A_59, %broadcast_in_dim3A_401, %broadcast_in_dim3A_402 : vector<8x2048xi1>, vector<8x2048xf32>
      %add3A_404 = arith.addf %add3A_389, %select_n3A_403 : vector<8x2048xf32>
      %jit3A_405 = arith.constant 0.000000e+00 : f32
      %broadcast_in_dim3A_406 = vector.broadcast %jit3A_405 : f32 to vector<8x2048xf32>
      %select_n3A_407 = arith.select %and3A_81, %exp3A, %broadcast_in_dim3A_406 : vector<8x2048xi1>, vector<8x2048xf32>
      %reduce_sum3A_408 = vector.shape_cast %select_n3A_407 : vector<8x2048xf32> to vector<1x8x2048xf32>
      %reduce_sum3A_409 = arith.constant dense<0.000000e+00> : vector<1xf32>
      %reduce_sum3A_410 = vector.multi_reduction <add>, %reduce_sum3A_408, %reduce_sum3A_409 [1, 2] : vector<1x8x2048xf32> to vector<1xf32>
      %reduce_sum3A_411 = vector.shape_cast %reduce_sum3A_410 : vector<1xf32> to vector<1x1x1xf32>
      %reduce_sum3A_412 = vector.extract %reduce_sum3A_411[0, 0, 0] : f32 from vector<1x1x1xf32>
      %sub3A_413 = arith.constant 1.000000e+00 : f32
      %sub3A_414 = arith.subf %reduce_sum3A_412, %sub3A_413 : f32
      %jit3A_415 = arith.constant 0.000000e+00 : f32
      %broadcast_in_dim3A_416 = vector.broadcast %sub3A_414 : f32 to vector<8x2048xf32>
      %broadcast_in_dim3A_417 = vector.broadcast %jit3A_415 : f32 to vector<8x2048xf32>
      %select_n3A_418 = arith.select %and3A_81, %broadcast_in_dim3A_416, %broadcast_in_dim3A_417 : vector<8x2048xi1>, vector<8x2048xf32>
      %add3A_419 = arith.addf %add3A_404, %select_n3A_418 : vector<8x2048xf32>
      %jit3A_420 = arith.constant 0.000000e+00 : f32
      %broadcast_in_dim3A_421 = vector.broadcast %jit3A_420 : f32 to vector<8x2048xf32>
      %select_n3A_422 = arith.select %and3A_103, %exp3A, %broadcast_in_dim3A_421 : vector<8x2048xi1>, vector<8x2048xf32>
      %reduce_sum3A_423 = vector.shape_cast %select_n3A_422 : vector<8x2048xf32> to vector<1x8x2048xf32>
      %reduce_sum3A_424 = arith.constant dense<0.000000e+00> : vector<1xf32>
      %reduce_sum3A_425 = vector.multi_reduction <add>, %reduce_sum3A_423, %reduce_sum3A_424 [1, 2] : vector<1x8x2048xf32> to vector<1xf32>
      %reduce_sum3A_426 = vector.shape_cast %reduce_sum3A_425 : vector<1xf32> to vector<1x1x1xf32>
      %reduce_sum3A_427 = vector.extract %reduce_sum3A_426[0, 0, 0] : f32 from vector<1x1x1xf32>
      %sub3A_428 = arith.constant 1.000000e+00 : f32
      %sub3A_429 = arith.subf %reduce_sum3A_427, %sub3A_428 : f32
      %jit3A_430 = arith.constant 0.000000e+00 : f32
      %broadcast_in_dim3A_431 = vector.broadcast %sub3A_429 : f32 to vector<8x2048xf32>
      %broadcast_in_dim3A_432 = vector.broadcast %jit3A_430 : f32 to vector<8x2048xf32>
      %select_n3A_433 = arith.select %and3A_103, %broadcast_in_dim3A_431, %broadcast_in_dim3A_432 : vector<8x2048xi1>, vector<8x2048xf32>
      %add3A_434 = arith.addf %add3A_419, %select_n3A_433 : vector<8x2048xf32>
      %jit3A_435 = arith.constant 0.000000e+00 : f32
      %broadcast_in_dim3A_436 = vector.broadcast %jit3A_435 : f32 to vector<8x2048xf32>
      %select_n3A_437 = arith.select %and3A_125, %exp3A, %broadcast_in_dim3A_436 : vector<8x2048xi1>, vector<8x2048xf32>
      %reduce_sum3A_438 = vector.shape_cast %select_n3A_437 : vector<8x2048xf32> to vector<1x8x2048xf32>
      %reduce_sum3A_439 = arith.constant dense<0.000000e+00> : vector<1xf32>
      %reduce_sum3A_440 = vector.multi_reduction <add>, %reduce_sum3A_438, %reduce_sum3A_439 [1, 2] : vector<1x8x2048xf32> to vector<1xf32>
      %reduce_sum3A_441 = vector.shape_cast %reduce_sum3A_440 : vector<1xf32> to vector<1x1x1xf32>
      %reduce_sum3A_442 = vector.extract %reduce_sum3A_441[0, 0, 0] : f32 from vector<1x1x1xf32>
      %sub3A_443 = arith.constant 1.000000e+00 : f32
      %sub3A_444 = arith.subf %reduce_sum3A_442, %sub3A_443 : f32
      %jit3A_445 = arith.constant 0.000000e+00 : f32
      %broadcast_in_dim3A_446 = vector.broadcast %sub3A_444 : f32 to vector<8x2048xf32>
      %broadcast_in_dim3A_447 = vector.broadcast %jit3A_445 : f32 to vector<8x2048xf32>
      %select_n3A_448 = arith.select %and3A_125, %broadcast_in_dim3A_446, %broadcast_in_dim3A_447 : vector<8x2048xi1>, vector<8x2048xf32>
      %add3A_449 = arith.addf %add3A_434, %select_n3A_448 : vector<8x2048xf32>
      %jit3A_450 = arith.constant 0.000000e+00 : f32
      %broadcast_in_dim3A_451 = vector.broadcast %jit3A_450 : f32 to vector<8x2048xf32>
      %select_n3A_452 = arith.select %and3A_147, %exp3A, %broadcast_in_dim3A_451 : vector<8x2048xi1>, vector<8x2048xf32>
      %reduce_sum3A_453 = vector.shape_cast %select_n3A_452 : vector<8x2048xf32> to vector<1x8x2048xf32>
      %reduce_sum3A_454 = arith.constant dense<0.000000e+00> : vector<1xf32>
      %reduce_sum3A_455 = vector.multi_reduction <add>, %reduce_sum3A_453, %reduce_sum3A_454 [1, 2] : vector<1x8x2048xf32> to vector<1xf32>
      %reduce_sum3A_456 = vector.shape_cast %reduce_sum3A_455 : vector<1xf32> to vector<1x1x1xf32>
      %reduce_sum3A_457 = vector.extract %reduce_sum3A_456[0, 0, 0] : f32 from vector<1x1x1xf32>
      %sub3A_458 = arith.constant 1.000000e+00 : f32
      %sub3A_459 = arith.subf %reduce_sum3A_457, %sub3A_458 : f32
      %jit3A_460 = arith.constant 0.000000e+00 : f32
      %broadcast_in_dim3A_461 = vector.broadcast %sub3A_459 : f32 to vector<8x2048xf32>
      %broadcast_in_dim3A_462 = vector.broadcast %jit3A_460 : f32 to vector<8x2048xf32>
      %select_n3A_463 = arith.select %and3A_147, %broadcast_in_dim3A_461, %broadcast_in_dim3A_462 : vector<8x2048xi1>, vector<8x2048xf32>
      %add3A_464 = arith.addf %add3A_449, %select_n3A_463 : vector<8x2048xf32>
      %jit3A_465 = arith.constant 0.000000e+00 : f32
      %broadcast_in_dim3A_466 = vector.broadcast %jit3A_465 : f32 to vector<8x2048xf32>
      %select_n3A_467 = arith.select %and3A_169, %exp3A, %broadcast_in_dim3A_466 : vector<8x2048xi1>, vector<8x2048xf32>
      %reduce_sum3A_468 = vector.shape_cast %select_n3A_467 : vector<8x2048xf32> to vector<1x8x2048xf32>
      %reduce_sum3A_469 = arith.constant dense<0.000000e+00> : vector<1xf32>
      %reduce_sum3A_470 = vector.multi_reduction <add>, %reduce_sum3A_468, %reduce_sum3A_469 [1, 2] : vector<1x8x2048xf32> to vector<1xf32>
      %reduce_sum3A_471 = vector.shape_cast %reduce_sum3A_470 : vector<1xf32> to vector<1x1x1xf32>
      %reduce_sum3A_472 = vector.extract %reduce_sum3A_471[0, 0, 0] : f32 from vector<1x1x1xf32>
      %sub3A_473 = arith.constant 1.000000e+00 : f32
      %sub3A_474 = arith.subf %reduce_sum3A_472, %sub3A_473 : f32
      %jit3A_475 = arith.constant 0.000000e+00 : f32
      %broadcast_in_dim3A_476 = vector.broadcast %sub3A_474 : f32 to vector<8x2048xf32>
      %broadcast_in_dim3A_477 = vector.broadcast %jit3A_475 : f32 to vector<8x2048xf32>
      %select_n3A_478 = arith.select %and3A_169, %broadcast_in_dim3A_476, %broadcast_in_dim3A_477 : vector<8x2048xi1>, vector<8x2048xf32>
      %add3A_479 = arith.addf %add3A_464, %select_n3A_478 : vector<8x2048xf32>
      %jit3A_480 = arith.constant 0.000000e+00 : f32
      %broadcast_in_dim3A_481 = vector.broadcast %jit3A_480 : f32 to vector<8x2048xf32>
      %select_n3A_482 = arith.select %and3A_191, %exp3A, %broadcast_in_dim3A_481 : vector<8x2048xi1>, vector<8x2048xf32>
      %reduce_sum3A_483 = vector.shape_cast %select_n3A_482 : vector<8x2048xf32> to vector<1x8x2048xf32>
      %reduce_sum3A_484 = arith.constant dense<0.000000e+00> : vector<1xf32>
      %reduce_sum3A_485 = vector.multi_reduction <add>, %reduce_sum3A_483, %reduce_sum3A_484 [1, 2] : vector<1x8x2048xf32> to vector<1xf32>
      %reduce_sum3A_486 = vector.shape_cast %reduce_sum3A_485 : vector<1xf32> to vector<1x1x1xf32>
      %reduce_sum3A_487 = vector.extract %reduce_sum3A_486[0, 0, 0] : f32 from vector<1x1x1xf32>
      %sub3A_488 = arith.constant 1.000000e+00 : f32
      %sub3A_489 = arith.subf %reduce_sum3A_487, %sub3A_488 : f32
      %jit3A_490 = arith.constant 0.000000e+00 : f32
      %broadcast_in_dim3A_491 = vector.broadcast %sub3A_489 : f32 to vector<8x2048xf32>
      %broadcast_in_dim3A_492 = vector.broadcast %jit3A_490 : f32 to vector<8x2048xf32>
      %select_n3A_493 = arith.select %and3A_191, %broadcast_in_dim3A_491, %broadcast_in_dim3A_492 : vector<8x2048xi1>, vector<8x2048xf32>
      %add3A_494 = arith.addf %add3A_479, %select_n3A_493 : vector<8x2048xf32>
      %jit3A_495 = arith.constant 0.000000e+00 : f32
      %broadcast_in_dim3A_496 = vector.broadcast %jit3A_495 : f32 to vector<8x2048xf32>
      %select_n3A_497 = arith.select %and3A_213, %exp3A, %broadcast_in_dim3A_496 : vector<8x2048xi1>, vector<8x2048xf32>
      %reduce_sum3A_498 = vector.shape_cast %select_n3A_497 : vector<8x2048xf32> to vector<1x8x2048xf32>
      %reduce_sum3A_499 = arith.constant dense<0.000000e+00> : vector<1xf32>
      %reduce_sum3A_500 = vector.multi_reduction <add>, %reduce_sum3A_498, %reduce_sum3A_499 [1, 2] : vector<1x8x2048xf32> to vector<1xf32>
      %reduce_sum3A_501 = vector.shape_cast %reduce_sum3A_500 : vector<1xf32> to vector<1x1x1xf32>
      %reduce_sum3A_502 = vector.extract %reduce_sum3A_501[0, 0, 0] : f32 from vector<1x1x1xf32>
      %sub3A_503 = arith.constant 1.000000e+00 : f32
      %sub3A_504 = arith.subf %reduce_sum3A_502, %sub3A_503 : f32
      %jit3A_505 = arith.constant 0.000000e+00 : f32
      %broadcast_in_dim3A_506 = vector.broadcast %sub3A_504 : f32 to vector<8x2048xf32>
      %broadcast_in_dim3A_507 = vector.broadcast %jit3A_505 : f32 to vector<8x2048xf32>
      %select_n3A_508 = arith.select %and3A_213, %broadcast_in_dim3A_506, %broadcast_in_dim3A_507 : vector<8x2048xi1>, vector<8x2048xf32>
      %add3A_509 = arith.addf %add3A_494, %select_n3A_508 : vector<8x2048xf32>
      %jit3A_510 = arith.constant 0.000000e+00 : f32
      %broadcast_in_dim3A_511 = vector.broadcast %jit3A_510 : f32 to vector<8x2048xf32>
      %select_n3A_512 = arith.select %and3A_235, %exp3A, %broadcast_in_dim3A_511 : vector<8x2048xi1>, vector<8x2048xf32>
      %reduce_sum3A_513 = vector.shape_cast %select_n3A_512 : vector<8x2048xf32> to vector<1x8x2048xf32>
      %reduce_sum3A_514 = arith.constant dense<0.000000e+00> : vector<1xf32>
      %reduce_sum3A_515 = vector.multi_reduction <add>, %reduce_sum3A_513, %reduce_sum3A_514 [1, 2] : vector<1x8x2048xf32> to vector<1xf32>
      %reduce_sum3A_516 = vector.shape_cast %reduce_sum3A_515 : vector<1xf32> to vector<1x1x1xf32>
      %reduce_sum3A_517 = vector.extract %reduce_sum3A_516[0, 0, 0] : f32 from vector<1x1x1xf32>
      %sub3A_518 = arith.constant 1.000000e+00 : f32
      %sub3A_519 = arith.subf %reduce_sum3A_517, %sub3A_518 : f32
      %jit3A_520 = arith.constant 0.000000e+00 : f32
      %broadcast_in_dim3A_521 = vector.broadcast %sub3A_519 : f32 to vector<8x2048xf32>
      %broadcast_in_dim3A_522 = vector.broadcast %jit3A_520 : f32 to vector<8x2048xf32>
      %select_n3A_523 = arith.select %and3A_235, %broadcast_in_dim3A_521, %broadcast_in_dim3A_522 : vector<8x2048xi1>, vector<8x2048xf32>
      %add3A_524 = arith.addf %add3A_509, %select_n3A_523 : vector<8x2048xf32>
      %jit3A_525 = arith.constant 0.000000e+00 : f32
      %broadcast_in_dim3A_526 = vector.broadcast %jit3A_525 : f32 to vector<8x2048xf32>
      %select_n3A_527 = arith.select %and3A_257, %exp3A, %broadcast_in_dim3A_526 : vector<8x2048xi1>, vector<8x2048xf32>
      %reduce_sum3A_528 = vector.shape_cast %select_n3A_527 : vector<8x2048xf32> to vector<1x8x2048xf32>
      %reduce_sum3A_529 = arith.constant dense<0.000000e+00> : vector<1xf32>
      %reduce_sum3A_530 = vector.multi_reduction <add>, %reduce_sum3A_528, %reduce_sum3A_529 [1, 2] : vector<1x8x2048xf32> to vector<1xf32>
      %reduce_sum3A_531 = vector.shape_cast %reduce_sum3A_530 : vector<1xf32> to vector<1x1x1xf32>
      %reduce_sum3A_532 = vector.extract %reduce_sum3A_531[0, 0, 0] : f32 from vector<1x1x1xf32>
      %sub3A_533 = arith.constant 1.000000e+00 : f32
      %sub3A_534 = arith.subf %reduce_sum3A_532, %sub3A_533 : f32
      %jit3A_535 = arith.constant 0.000000e+00 : f32
      %broadcast_in_dim3A_536 = vector.broadcast %sub3A_534 : f32 to vector<8x2048xf32>
      %broadcast_in_dim3A_537 = vector.broadcast %jit3A_535 : f32 to vector<8x2048xf32>
      %select_n3A_538 = arith.select %and3A_257, %broadcast_in_dim3A_536, %broadcast_in_dim3A_537 : vector<8x2048xi1>, vector<8x2048xf32>
      %add3A_539 = arith.addf %add3A_524, %select_n3A_538 : vector<8x2048xf32>
      %jit3A_540 = arith.constant 0.000000e+00 : f32
      %broadcast_in_dim3A_541 = vector.broadcast %jit3A_540 : f32 to vector<8x2048xf32>
      %select_n3A_542 = arith.select %and3A_279, %exp3A, %broadcast_in_dim3A_541 : vector<8x2048xi1>, vector<8x2048xf32>
      %reduce_sum3A_543 = vector.shape_cast %select_n3A_542 : vector<8x2048xf32> to vector<1x8x2048xf32>
      %reduce_sum3A_544 = arith.constant dense<0.000000e+00> : vector<1xf32>
      %reduce_sum3A_545 = vector.multi_reduction <add>, %reduce_sum3A_543, %reduce_sum3A_544 [1, 2] : vector<1x8x2048xf32> to vector<1xf32>
      %reduce_sum3A_546 = vector.shape_cast %reduce_sum3A_545 : vector<1xf32> to vector<1x1x1xf32>
      %reduce_sum3A_547 = vector.extract %reduce_sum3A_546[0, 0, 0] : f32 from vector<1x1x1xf32>
      %sub3A_548 = arith.constant 1.000000e+00 : f32
      %sub3A_549 = arith.subf %reduce_sum3A_547, %sub3A_548 : f32
      %jit3A_550 = arith.constant 0.000000e+00 : f32
      %broadcast_in_dim3A_551 = vector.broadcast %sub3A_549 : f32 to vector<8x2048xf32>
      %broadcast_in_dim3A_552 = vector.broadcast %jit3A_550 : f32 to vector<8x2048xf32>
      %select_n3A_553 = arith.select %and3A_279, %broadcast_in_dim3A_551, %broadcast_in_dim3A_552 : vector<8x2048xi1>, vector<8x2048xf32>
      %add3A_554 = arith.addf %add3A_539, %select_n3A_553 : vector<8x2048xf32>
      %jit3A_555 = arith.constant 0.000000e+00 : f32
      %broadcast_in_dim3A_556 = vector.broadcast %jit3A_555 : f32 to vector<8x2048xf32>
      %select_n3A_557 = arith.select %and3A_301, %exp3A, %broadcast_in_dim3A_556 : vector<8x2048xi1>, vector<8x2048xf32>
      %reduce_sum3A_558 = vector.shape_cast %select_n3A_557 : vector<8x2048xf32> to vector<1x8x2048xf32>
      %reduce_sum3A_559 = arith.constant dense<0.000000e+00> : vector<1xf32>
      %reduce_sum3A_560 = vector.multi_reduction <add>, %reduce_sum3A_558, %reduce_sum3A_559 [1, 2] : vector<1x8x2048xf32> to vector<1xf32>
      %reduce_sum3A_561 = vector.shape_cast %reduce_sum3A_560 : vector<1xf32> to vector<1x1x1xf32>
      %reduce_sum3A_562 = vector.extract %reduce_sum3A_561[0, 0, 0] : f32 from vector<1x1x1xf32>
      %sub3A_563 = arith.constant 1.000000e+00 : f32
      %sub3A_564 = arith.subf %reduce_sum3A_562, %sub3A_563 : f32
      %jit3A_565 = arith.constant 0.000000e+00 : f32
      %broadcast_in_dim3A_566 = vector.broadcast %sub3A_564 : f32 to vector<8x2048xf32>
      %broadcast_in_dim3A_567 = vector.broadcast %jit3A_565 : f32 to vector<8x2048xf32>
      %select_n3A_568 = arith.select %and3A_301, %broadcast_in_dim3A_566, %broadcast_in_dim3A_567 : vector<8x2048xi1>, vector<8x2048xf32>
      %add3A_569 = arith.addf %add3A_554, %select_n3A_568 : vector<8x2048xf32>
      %jit3A_570 = arith.constant 0.000000e+00 : f32
      %broadcast_in_dim3A_571 = vector.broadcast %jit3A_570 : f32 to vector<8x2048xf32>
      %select_n3A_572 = arith.select %and3A_323, %exp3A, %broadcast_in_dim3A_571 : vector<8x2048xi1>, vector<8x2048xf32>
      %reduce_sum3A_573 = vector.shape_cast %select_n3A_572 : vector<8x2048xf32> to vector<1x8x2048xf32>
      %reduce_sum3A_574 = arith.constant dense<0.000000e+00> : vector<1xf32>
      %reduce_sum3A_575 = vector.multi_reduction <add>, %reduce_sum3A_573, %reduce_sum3A_574 [1, 2] : vector<1x8x2048xf32> to vector<1xf32>
      %reduce_sum3A_576 = vector.shape_cast %reduce_sum3A_575 : vector<1xf32> to vector<1x1x1xf32>
      %reduce_sum3A_577 = vector.extract %reduce_sum3A_576[0, 0, 0] : f32 from vector<1x1x1xf32>
      %sub3A_578 = arith.constant 1.000000e+00 : f32
      %sub3A_579 = arith.subf %reduce_sum3A_577, %sub3A_578 : f32
      %jit3A_580 = arith.constant 0.000000e+00 : f32
      %broadcast_in_dim3A_581 = vector.broadcast %sub3A_579 : f32 to vector<8x2048xf32>
      %broadcast_in_dim3A_582 = vector.broadcast %jit3A_580 : f32 to vector<8x2048xf32>
      %select_n3A_583 = arith.select %and3A_323, %broadcast_in_dim3A_581, %broadcast_in_dim3A_582 : vector<8x2048xi1>, vector<8x2048xf32>
      %add3A_584 = arith.addf %add3A_569, %select_n3A_583 : vector<8x2048xf32>
      %jit3A_585 = arith.constant 0.000000e+00 : f32
      %broadcast_in_dim3A_586 = vector.broadcast %jit3A_585 : f32 to vector<8x2048xf32>
      %select_n3A_587 = arith.select %and3A_345, %exp3A, %broadcast_in_dim3A_586 : vector<8x2048xi1>, vector<8x2048xf32>
      %reduce_sum3A_588 = vector.shape_cast %select_n3A_587 : vector<8x2048xf32> to vector<1x8x2048xf32>
      %reduce_sum3A_589 = arith.constant dense<0.000000e+00> : vector<1xf32>
      %reduce_sum3A_590 = vector.multi_reduction <add>, %reduce_sum3A_588, %reduce_sum3A_589 [1, 2] : vector<1x8x2048xf32> to vector<1xf32>
      %reduce_sum3A_591 = vector.shape_cast %reduce_sum3A_590 : vector<1xf32> to vector<1x1x1xf32>
      %reduce_sum3A_592 = vector.extract %reduce_sum3A_591[0, 0, 0] : f32 from vector<1x1x1xf32>
      %sub3A_593 = arith.constant 1.000000e+00 : f32
      %sub3A_594 = arith.subf %reduce_sum3A_592, %sub3A_593 : f32
      %jit3A_595 = arith.constant 0.000000e+00 : f32
      %broadcast_in_dim3A_596 = vector.broadcast %sub3A_594 : f32 to vector<8x2048xf32>
      %broadcast_in_dim3A_597 = vector.broadcast %jit3A_595 : f32 to vector<8x2048xf32>
      %select_n3A_598 = arith.select %and3A_345, %broadcast_in_dim3A_596, %broadcast_in_dim3A_597 : vector<8x2048xi1>, vector<8x2048xf32>
      %add3A_599 = arith.addf %add3A_584, %select_n3A_598 : vector<8x2048xf32>
      %div3A = arith.divf %exp3A, %add3A_599 : vector<8x2048xf32>
      %swap3A = arith.constant 0 : index
      %swap3A_600 = arith.constant 0 : index
      %swap3A_601 = vector.load %arg7[%swap3A, %swap3A_600] : memref<10x2048xf32, #tpu.memory_space<vmem>>, vector<8x2048xf32>
      tpu.vector_store %arg7[%swap3A, %swap3A_600], %div3A {strides = array<i32>} : memref<10x2048xf32, #tpu.memory_space<vmem>>, vector<8x2048xf32>,
      %broadcast_in_dim3A_602 = arith.constant 0.000000e+00 : f32
      %broadcast_in_dim3A_603 = vector.broadcast %broadcast_in_dim3A_602 : f32 to vector<2x2048xf32>
      %swap3A_604 = arith.constant 8 : index
      %swap3A_605 = arith.constant 0 : index
      %swap3A_606 = vector.load %arg7[%swap3A_604, %swap3A_605] : memref<10x2048xf32, #tpu.memory_space<vmem>>, vector<2x2048xf32>
      tpu.vector_store %arg7[%swap3A_604, %swap3A_605], %broadcast_in_dim3A_603 {strides = array<i32>} : memref<10x2048xf32, #tpu.memory_space<vmem>>, vector<2x2048xf32>,
    } else {
    }
    return
  }
  func.func @transform_0(%arg0: i32, %arg1: memref<17xi32, #tpu.memory_space<smem>>) -> (i32, i32) {
    %min3A = arith.constant 7 : i32
    %min3A_0 = arith.minsi %arg0, %min3A : i32
    %c0_i32 = arith.constant 0 : i32
    %c0_i32_1 = arith.constant 0 : i32
    return %min3A_0, %c0_i32 : i32, i32
  }
  func.func @transform_1(%arg0: i32, %arg1: memref<17xi32, #tpu.memory_space<smem>>) -> (i32, i32) {
    %c0_i32 = arith.constant 0 : i32
    %c0_i32_0 = arith.constant 0 : i32
    %c0_i32_1 = arith.constant 0 : i32
    return %c0_i32, %c0_i32_0 : i32, i32
  }
  func.func @transform_2(%arg0: i32, %arg1: memref<17xi32, #tpu.memory_space<smem>>) -> (i32, i32) {
    %c0_i32 = arith.constant 0 : i32
    %c0_i32_0 = arith.constant 0 : i32
    %c0_i32_1 = arith.constant 0 : i32
    return %c0_i32, %c0_i32_0 : i32, i32
  }
  func.func @transform_3(%arg0: i32, %arg1: memref<17xi32, #tpu.memory_space<smem>>) -> (i32, i32) {
    %c0_i32 = arith.constant 0 : i32
    %c0_i32_0 = arith.constant 0 : i32
    %c0_i32_1 = arith.constant 0 : i32
    return %c0_i32, %c0_i32_0 : i32, i32
  }
  func.func @transform_4(%arg0: i32, %arg1: memref<17xi32, #tpu.memory_space<smem>>) -> (i32, i32) {
    %c0_i32 = arith.constant 0 : i32
    %c0_i32_0 = arith.constant 0 : i32
    %c0_i32_1 = arith.constant 0 : i32
    return %c0_i32, %c0_i32_0 : i32, i32
  }
  func.func @transform_5(%arg0: i32, %arg1: memref<17xi32, #tpu.memory_space<smem>>) -> (i32, i32) {
    %c0_i32 = arith.constant 0 : i32
    %c0_i32_0 = arith.constant 0 : i32
    %c0_i32_1 = arith.constant 0 : i32
    return %c0_i32, %c0_i32_0 : i32, i32
  }
}

</mosaic_0001>

<sc_bundles>
// kernel: kernel.4.cloned.1.call-start
scs
__scs_entry_jumppad:
0x0: {  	(pc) =	sbr.rel $0x88, $3  }
0x1: {  	(tag) =	ssettag $0x0;
	lr =	simm.s32 $0x1  }
0x2: {  	[smem:$0x3F9B] =	sst lr;
	_ =	strace $0xD0000000  }
0x3: {  	_ = 	snop  }
0x4: {  	_ = 	snop  }
0x5: {  	_ = 	snop  }
0x6: {  	_ = 	snop  }
0x7: {  	_ = 	snop  }
__scs_overlays_trampoline_lowered:
0x8: {  	[smem:$0x3FAA] =	sst s0  }
0x9: {  	[smem:$0x3FAB] =	sst s1  }
0xa: {  	[smem:$0x3FAC] =	sst s2  }
0xb: {  	[smem:$0x3FAD] =	sst s3  }
0xc: {  	[smem:$0x3FAE] =	sst s4  }
0xd: {  	[smem:$0x3FAF] =	sst s5  }
0xe: {  	[smem:$0x3FB0] =	sst s6  }
0xf: {  	[smem:$0x3FB1] =	sst s7  }
0x10: {  	[smem:$0x3FB2] =	sst s8  }
0x11: {  	[smem:$0x3FB3] =	sst s9;
	s0 =	simm.s32 @!p0 $0x0  }
0x12: {  	s1 =	sld [smem:$0x3F99];
	s0 =	simm.s32 @p0 $0x1  }
0x13: {  	[smem:$0x3FB4] =	sst s0;
	s0 =	simm.s32 @!p1 $0x0  }
0x14: {  	s2 =	sld [smem:$0x3F98];
	s0 =	simm.s32 @p1 $0x1  }
0x15: {  	[smem:$0x3FB5] =	sst s0;
	s0 =	simm.s32 @!p2 $0x0  }
0x16: {  	s3 =	sld [smem:$0x3FDB];
	s0 =	simm.s32 @p2 $0x1  }
0x17: {  	s4 =	simm.s32 $0x1BF5;
	[smem:$0x3FB7] =	sst s0  }
0x18: {  	s0 =	sld [smem:$0x3F9A];
	_ =	swait.ge [sflag:s4], $0x0  }
0x19: {  	s7 =	sld [smem:$0x3F9B]  }
0x1a: {  	s8 =	sadd.s32 $0xFFFFE003, lr  }
0x1b: {  	s9 =	sadd.s32 $0xFFFFFEF7, lr;
	s5 =	simm.s32 $0xFFFFFFFF;
	p2 =	slt.u32 s8, $0xFFFFF086  }
0x1c: {  	p1 =	slt.u32 s9, $0xF7A;
	s5 =	simm.s32 @!p2 $0x0  }
0x1d: {  	s5 =	simm.s32 @p1 $0x1;
	p0 =	seq.s32 s7, s2  }
0x1e: {  	s7 =	smul.u32 @!p0 $0xF7A, s2;
	p2 =	seq.s32 @!p0 s5, $0x0  }
0x1f: {  	s9 =	smul.u32 $0xF7A, s1;
	s8 =	simm.s32 @!p0 $0x1BF5;
	p2 =	por !p2, p0  }
0x20: {  	[sflag:s8] =	ssyncset.s32 @!p0 $0xFFFFF086;
	s6 =	sadd.s32 @!p0 s3, s7;
	s7 =	simm.s32 @!p0 $0x108  }
0x21: {  	s3 =	sadd.s32 s3, s9;
	s6 =	sadd.s32 @!p0 $0x88, s6;
	s7 =	simm.s32 @p2 $0x1082  }
0x22: {  	[simem:s7], [sflag:s8] =	dma.local @!p0 [hbm:s6], $0xF7A  }
0x23: {  	s9 =	sor.u32 $0xD0000000, s2;
	s6 =	simm.s32 $0x108;
	_ =	swait.ge @!p0 [sflag:s8], $0x0  }
0x24: {  	s3 =	sadd.s32 $0x88, s3;
	s6 =	simm.s32 @!p1 $0x1082;
	[sflag:s4] =	ssyncset.s32 $0xFFFFF086  }
0x25: {  	[simem:s6], [sflag:s4] =	dma.local [hbm:s3], $0xF7A  }
0x26: {  	[smem:$0x3F9B] =	sst s1;
	(tag) =	ssettag s2;
	_ =	strace s9  }
0x27: {  	s1 =	sld [smem:$0x3FAB]  }
0x28: {  	s2 =	sld [smem:$0x3FAC]  }
0x29: {  	s4 =	sld [smem:$0x3FAE]  }
0x2a: {  	p0 =	seq.s32 s5, $0x0;
	s5 =	sld [smem:$0x3FAF]  }
0x2b: {  	s6 =	sld [smem:$0x3FB0]  }
0x2c: {  	s7 =	sld [smem:$0x3FB1]  }
0x2d: {  	s3 =	simm.s32 $0x108;
	s8 =	sld [smem:$0x3FB2]  }
0x2e: {  	s3 =	simm.s32 @!p0 $0x1082;
	s9 =	sld [smem:$0x3FB3]  }
0x2f: {  	lr =	sadd.s32 s0, s3;
	s0 =	sld [smem:$0x3FAA]  }
0x30: {  	s3 =	sld [smem:$0x3FAD]  }
0x31: {  	[smem:$0x3FB6] =	sst s10  }
0x32: {  	s10 =	sld [smem:$0x3FB4];
	_ =	sdelay $0x3  }
0x33: {  	p0 =	seq.s32 s10, $0x1;
	s10 =	sld [smem:$0x3FB6];
	_ =	sdelay $0x3  }
0x34: {  	[smem:$0x3FB6] =	sst s10  }
0x35: {  	s10 =	sld [smem:$0x3FB5];
	_ =	sdelay $0x3  }
0x36: {  	p1 =	seq.s32 s10, $0x1;
	s10 =	sld [smem:$0x3FB6];
	_ =	sdelay $0x3  }
0x37: {  	[smem:$0x3FB6] =	sst s10  }
0x38: {  	s10 =	sld [smem:$0x3FB7]  }
0x39: {  	_ = 	snop;
	(pc) =	sbr.ind lr, $3  }
0x3a: {  	_ = 	snop  }
0x3b: {  	_ = 	snop  }
0x3c: {  	p2 =	seq.s32 s10, $0x1;
	s10 =	sld [smem:$0x3FB6]  }
0x3d: {  	_ =	shalt  }
0x3e: {  	_ =	shalt  }
0x3f: {  	_ =	shalt  }
0x40: {  	_ =	shalt  }
0x41: {  	_ =	shalt  }
0x42: {  	_ =	shalt  }
0x43: {  	_ =	shalt  }
0x44: {  	_ =	shalt  }
0x45: {  	_ =	shalt  }
0x46: {  	_ =	shalt  }
0x47: {  	_ =	shalt  }
0x48: {  	_ =	shalt  }
0x49: {  	_ =	shalt  }
0x4a: {  	_ =	shalt  }
0x4b: {  	_ =	shalt  }
0x4c: {  	_ =	shalt  }
0x4d: {  	_ =	shalt  }
0x4e: {  	_ =	shalt  }
0x4f: {  	_ =	shalt  }
0x50: {  	_ =	shalt  }
0x51: {  	_ =	shalt  }
0x52: {  	_ =	shalt  }
0x53: {  	_ =	shalt  }
0x54: {  	_ =	shalt  }
0x55: {  	_ =	shalt  }
0x56: {  	_ =	shalt  }
0x57: {  	_ =	shalt  }
0x58: {  	_ =	shalt  }
0x59: {  	_ =	shalt  }
0x5a: {  	_ =	shalt  }
0x5b: {  	_ =	shalt  }
0x5c: {  	_ =	shalt  }
0x5d: {  	_ =	shalt  }
0x5e: {  	_ =	shalt  }
0x5f: {  	_ =	shalt  }
0x60: {  	_ =	shalt  }
0x61: {  	_ =	shalt  }
0x62: {  	_ =	shalt  }
0x63: {  	_ =	shalt  }
0x64: {  	_ =	shalt  }
0x65: {  	_ =	shalt  }
0x66: {  	_ =	shalt  }
0x67: {  	_ =	shalt  }
0x68: {  	_ =	shalt  }
0x69: {  	_ =	shalt  }
0x6a: {  	_ =	shalt  }
0x6b: {  	_ =	shalt  }
0x6c: {  	_ =	shalt  }
0x6d: {  	_ =	shalt  }
0x6e: {  	_ =	shalt  }
0x6f: {  	_ =	shalt  }
0x70: {  	_ =	shalt  }
0x71: {  	_ =	shalt  }
0x72: {  	_ =	shalt  }
0x73: {  	_ =	shalt  }
0x74: {  	_ =	shalt  }
0x75: {  	_ =	shalt  }
0x76: {  	_ =	shalt  }
0x77: {  	_ =	shalt  }
0x78: {  	_ =	shalt  }
0x79: {  	_ =	shalt  }
0x7a: {  	_ =	shalt  }
0x7b: {  	_ =	shalt  }
0x7c: {  	_ =	shalt  }
0x7d: {  	_ =	shalt  }
0x7e: {  	_ =	shalt  }
0x7f: {  	_ =	shalt  }
0x80: {  	_ =	shalt  }
0x81: {  	_ =	shalt  }
0x82: {  	_ =	shalt  }
0x83: {  	_ =	shalt  }
0x84: {  	_ =	shalt  }
0x85: {  	_ =	shalt  }
0x86: {  	_ =	shalt  }
0x87: {  	_ =	shalt  }
.Lfunc_end0:
.L_simem_size_0:
called_computation_lowered:
.L_overlay_start_0:
0x88: {  	s0 =	sld [smem:$0x3FD9]  }
0x89: {  	s1 =	sld [smem:$0x3FFE];
	_ =	sdelay $0x3  }
0x8a: {  	s0 =	sadd.s32 s1, s0  }
0x8b: {  	[smem:$0x3FC2] =	sst s0  }
0x8c: {  	_ = 	snop  }
0x8d: {  	s0 =	sld [smem:$0x3FD0];
	(tm) =	ssettm $0x1  }
0x8e: {  	s16 =	sld [smem:$0x3FFB];
	_ =	sdelay $0x3  }
0x8f: {  	_ =	strace s16  }
0x90: {  	s1 =	sld [smem:$0x3FFC];
	_ =	sdelay $0x3  }
0x91: {  	_ =	strace s1  }
0x92: {  	s1 =	sld [smem:$0x3FFD];
	_ =	sdelay $0x3  }
0x93: {  	_ =	strace s1  }
0x94: {  	_ =	strace $0x8FFFFFFF  }
0x95: {  	s17 =	sld [smem:$0x3FDB];
	_ =	sdelay $0x1  }
0x96: {  	s2 =	simm.s32 $_scs_section_size  }
0x97: {  	s3 =	simm.s32 $_size__tile_overlayer_lowered;
	s4 =	simm.s32 $_tile_overlayer_lowered  }
0x98: {  	s20 =	simm.s32 $0x1BFF;
	s19 =	sshll.u32 s4, $0x1;
	s1 =	sadd.s32 s2, s17  }
0x99: {  	s5 =	simm.s32 $0x0;
	s18 =	sshll.u32 s3, $0x1;
	s3 =	sadd.s32 s19, s1  }
0x9a: {  	[timem:s5], [sflag:s20] =	dma.local [hbm:s3], s18  }
0x9b: {  	_ =	swait.ge [sflag:s20], s18  }
0x9c: {  	s2 =	ssub.s32 $0x0, s18;
	[sflag:s20] =	ssyncset.done $0x0  }
0x9d: {  	[sflag:s20] =	ssyncadd.s32 s2;
	_ =	sdelay $0x1  }
0x9e: {  	s21 =	simm.s32 $0x1B8B  }
0x9f: {  	_ =	swait.ge [sflag:s21], $0x1  }
0xa0: {  	[sflag:s21] =	ssyncset.done $0x0  }
0xa1: {  	s23 =	simm.s32 $0x1B8E;
	s22 =	sld [smem:$0x3FFE];
	[sflag:s21] =	ssyncadd.s32 $0xFFFFFFFF  }
0xa2: {  	s24 =	simm.s32 $execute0_lowered;
	[smem:$0x3FD2] =	sst s23  }
0xa3: {  	s3 =	sshll.u32 s24, $0x1;
	_ =	strace $0x80000046;
	[dreg:$0x1] =	wrdreg $0xFFFFFFFF  }
0xa4: {  	s25 =	simm.s32 $_size_execute0_lowered;
	s1 =	sadd.s32 s1, s3;
	[dreg:$0x0] =	wrdreg $0x0  }
0xa5: {  	s3 =	sshll.u32 s25, $0x1;
	[dreg:$0x2] =	wrdreg s1  }
0xa6: {  	[dreg:$0x3] =	wrdreg s3  }
0xa7: {  	[dreg:$0x4] =	wrdreg $0xC0  }
0xa8: {  	_ =	task [dreg:s5], $0x5FFFF  }
0xa9: {  	[dreg:$0x1] =	wrdreg $0xFFFFFFFF  }
0xaa: {  	[dreg:$0x0] =	wrdreg $0x60  }
0xab: {  	[dreg:$0x2] =	wrdreg s0  }
0xac: {  	[dreg:$0x3] =	wrdreg s22  }
0xad: {  	[dreg:$0x4] =	wrdreg $0x9  }
0xae: {  	_ =	task.clear_ibuf [dreg:s5], $0x5FFFF;
	_ =	strace $0x90000046  }
0xaf: {  	s26 =	simm.s32 $0x9;
	_ =	strace $0x80000048  }
0xb0: {  	_ =	swait.ge [sflag:s26], $0x1  }
0xb1: {  	[sflag:s26] =	ssyncadd.s32 $0xFFFFFFFF  }
0xb2: {  	_ =	strace $0x90000048  }
0xb3: {  	_ =	sfence  }
0xb4: {  	s28 =	sld [smem:$0x0];
	_ =	sdelay $0x1  }
0xb5: {  	s29 =	srdreg.scid  }
0xb6: {  	s30 =	sshll.u32 s29, $0xD;
	s31 =	sshrl.u32 s29, $0x2  }
0xb7: {  	s2 =	sand.u32 $0x4000, s30;
	s1 =	sand.u32 $0x1, s29;
	s0 =	sadd.s32 s31, s28  }
0xb8: {  	s1 =	sor.u32 s2, s1;
	s0 =	sshll.u32 s0, $0x11  }
0xb9: {  	s0 =	sor.u32 s0, s1  }
0xba: {  	s0 =	sadd.s32 $0x8F2B, s0  }
0xbb: {  	[sflag:s0] =	ssyncadd.remote.s32 $0x1  }
0xbc: {  	_ =	sfence.sel $0xFFFF  }
0xbd: {  	[dreg:$0x0] =	wrdreg $0xFFFFFFFF;
	(pc) =	sbr.abs _section_cstart, $3  }
0xbe: {  	[dreg:$0x1] =	wrdreg $0xFFFFFFFF  }
0xbf: {  	_ =	task.clear_ibuf [dreg:s5], $0x2FFFF;
	_ =	strace $0x9FFFFFFF  }
0xc0: {  	(tm) =	ssettm $0x7FFFFFFF  }
0xc1: {  	_ =	shalt  }
tec
execute0_lowered:
.L_overlay_start_1:
0x0: {  	(tag) =	ssettag $0x1  }
0x1: {  	s2 =	rddreg [dreg:$0x0]  }
0x2: {  	s3 =	rddreg [dreg:$0x1]  }
0x3: {  	s0 =	rddreg [dreg:$0x2];
	s4 =	simm.s32 $0x0  }
0x4: {  	[smem:$0x7FF] =	sst s4  }
0x5: {  	s5 =	simm.s32 $0x1;
	s1 =	sadd.s32 $0xC00, s3;
	_ =	strace $0x80000047  }
0x6: {  	[tilespmem:s4], [sflag:$0x1] =	stream.linear.gather [hbm4b:s1+s4], $0x80, $0x38;
	[tilespmem:$0x1100] =	vst v63  }
0x7: {  	_ =	swait.ge [sflag:s5], $0x80  }
0x8: {  	[sflag:s5] =	ssyncset.done $0x0  }
0x9: {  	s1 =	stileid.u32;
	[sflag:s5] =	ssyncadd.s32 $0xFFFFFF80  }
0xa: {  	v0 =	vld [tilespmem:s1+$0x0];
	_ =	sdelay $0x4  }
0xb: {  	(v2sf) =	vpush v0, $0x0;
	_ =	sdelay $0x1  }
0xc: {  	(v2sf) =	vpush v0, $0x1;
	_ =	sdelay $0xc  }
0xd: {  	s6 =	spop (v2sf)  }
0xe: {  	s7 =	sshrl.u32 s6, $0x3  }
0xf: {  	s28 =	simm.s32 $0x80;
	s8 =	spop (v2sf);
	s2 =	sadd.s32 s2, s7  }
0x10: {  	[tilespmem:s28], [sflag:$0x1] =	stream.linear.gather [hbm4b:s2+s4], $0x810, $0x38;
	[tilespmem:$0x1100] =	vst v63  }
0x11: {  	_ =	swait.ge [sflag:s5], $0x810  }
0x12: {  	s29 =	sand.u32 $0x7, s6;
	[sflag:s5] =	ssyncset.done $0x0  }
0x13: {  	s30 =	sor.u32 $0x80, s29;
	[sflag:s5] =	ssyncadd.s32 $0xFFFFF7F0  }
0x14: {  	v2 =	vld [tilespmem:s30+$0x0];
	_ =	sdelay $0x1  }
0x15: {  	v1 =	vlaneseq.u32;
	s31 =	ssub.s32 s8, s6  }
0x16: {  	v3 =	vor.u32 s4, v1;
	v0 =	vmov s31  }
0x17: {  	vm0 =	vlt.s32 v3, v0  }
0x18: {  	s2 =	simm.s32 $0x900;
	v2 =	vnsel vm0, $0x0, v2  }
0x19: {  	s4 =	sadd.s32 $0x10, s30;
	[tilespmem:s2+$0x0] =	vst v2  }
0x1a: {  	s3 =	sadd.s32 $0xE00, s3;
	s6 =	simm.s32 $0x20;
	s5 =	simm.s32 $0x10;
	v2 =	vld [tilespmem:s4+$0x0]  }
.LBB2_1:
0x1b: {  	p0 =	sne.s32 s6, $0x7F0;
	_ =	sdelay $0x1  }
.Ltmp0:
0x1c: {  	v3 =	vor.u32 s5, v1;
	s5 =	smov.u32 s6;
	(pc) =	sbr.rel @p0 .LBB2_1-.Ltmp0, $4  }
0x1d: {  	vm0 =	vlt.s32 v3, v0  }
0x1e: {  	s2 =	sadd.s32 $0x10, s2;
	v2 =	vnsel vm0, $0x0, v2  }
0x1f: {  	s4 =	sadd.s32 $0x10, s4;
	[tilespmem:s2+$0x0] =	vst v2  }
0x20: {  	s6 =	sadd.s32 $0x10, s6;
	v2 =	vld [tilespmem:s4+$0x0]  }
0x21: {  	_ =	sdelay $0x1  }
0x22: {  	v1 =	vor.u32 s5, v1  }
0x23: {  	vm0 =	vlt.s32 v1, v0  }
0x24: {  	s2 =	sadd.s32 $0x10, s2;
	s4 =	sshll.u32 s1, $0x8;
	s29 =	simm.s32 $0x0;
	v0 =	vnsel vm0, $0x0, v2  }
0x25: {  	s30 =	simm.s32 $0x900;
	s31 =	simm.s32 $0x1;
	s28 =	sadd.s32 s3, s4;
	[tilespmem:s2+$0x0] =	vst v0  }
0x26: {  	[hbm4b:s28+s29] =	stream.linear.scatter [tilespmem:s30], [sflag:$0x1], $0x800, $0x38;
	[tilespmem:$0x1100] =	vst v63  }
0x27: {  	_ =	swait.ge [sflag:s31], $0x800  }
0x28: {  	[sflag:s31] =	ssyncset.done $0x0  }
0x29: {  	[sflag:s31] =	ssyncadd.s32 $0xFFFFF800  }
0x2a: {  	_ =	sfence.sel $0x180000  }
0x2b: {  	[bflag:$0x0] =	sbarrier.arrive $0xFFFF  }
0x2c: {  	p0 =	sne.s32 s1, $0x0;
	_ =	strace $0x90000047  }
0x2d: {  	s0 =	sadd.s32 @!p0 $0x100000, s0;
	[bflag:$0x2] =	sbarrier.arrive $0xFFFF  }
0x2e: {  	[sflag:s0] =	ssyncadd.tile.s32 @!p0 $0x1;
	_ =	shalt  }
.Lfunc_end2:
_tile_overlayer_lowered:
.L_overlay_start_2:
0x2f: {  	(tag) =	ssettag $0x2  }
0x30: {  	s0 =	rddreg [dreg:$0x0];
	s2 =	stileid.u32  }
0x31: {  	s1 =	rddreg [dreg:$0x1];
	p0 =	sne.s32 s2, $0x0  }
0x32: {  	s3 =	rddreg [dreg:$0x2];
	[bflag:$0x3] =	sbarrier.arrive $0xFFFF;
	s2 =	simm.s32 @!p0 $0x1C01  }
0x33: {  	[timem:s3], [sflag:s2] =	dma.local @!p0 [hbm:s0], s1  }
0x34: {  	s0 =	simm.s32 @!p0 $0x1  }
0x35: {  	_ =	swait.ge @!p0 [sflag:s0], s1  }
0x36: {  	s1 =	ssub.s32 @!p0 $0x0, s1;
	[sflag:s0] =	ssyncset.done @!p0 $0x0  }
0x37: {  	[sflag:s0] =	ssyncadd.s32 @!p0 s1  }
0x38: {  	[bflag:$0x3] =	sbarrier.arrive $0xFFFF  }
0x39: {  	_ =	shalt  }

</sc_bundles>
